<compile_context>
chip_gen: v7x
topology: tpu7x:2x2x1
jax: 0.10.2.dev20260603
libtpu: 0.0.44.dev20260713+nightly
codegen_flags: <defaults>
</compile_context>

<pallas_src>
import jax
import jax.numpy as jnp
from jax import lax
from jax.experimental import pallas as pl
from jax.experimental.pallas import tpu as pltpu
from jax.experimental.pallas import tpu_sc as plsc

N = 100000
D = 128
G = 512
NC = 2
NS = 16
NW = NC * NS
NLANE = 16
NV = D // NLANE
CHUNK = 256
HALF = CHUNK // 2
NGRP = HALF // NLANE
NSLOT = 288
P = NSLOT * CHUNK
IDXW = 128
_T = -(-NSLOT // NW)
TSTEPS = _T + (_T % 2)
TCBLK = 1024
TCX0 = P // TCBLK
TCGRID = -(-(N - P) // TCBLK)
GROWS = G // NS


def _sc_body(x_hbm, batch_hbm, part_hbm, xb0, xb1, ib0, ib1,
             obuf, acc2, gs0, gs1, is0, is1):
    c = lax.axis_index("c")
    s = lax.axis_index("s")
    w = s * NC + c
    xbufs, ibufs = (xb0, xb1), (ib0, ib1)
    gsems, isems = (gs0, gs1), (is0, is1)

    @pl.loop(0, GROWS)
    def _zero_rows(i):
        @pl.loop(0, NV)
        def _zero_lanes(k):
            obuf[i, pl.ds(k * NLANE, NLANE)] = jnp.zeros((NLANE,),
                                                         jnp.float32)

    pltpu.sync_copy(obuf, acc2.at[pl.ds(s * GROWS, GROWS)])
    plsc.subcore_barrier()

    def issue(slot, b):
        @pl.when(slot < NSLOT)
        def _():
            row0 = pl.multiple_of(slot * CHUNK, CHUNK)
            pltpu.async_copy(x_hbm.at[pl.ds(row0, CHUNK)], xbufs[b],
                             gsems[b])
            pltpu.async_copy(batch_hbm.at[pl.ds(row0, IDXW)],
                             ibufs[b].at[0], isems[b])
            pltpu.async_copy(batch_hbm.at[pl.ds(row0 + IDXW, IDXW)],
                             ibufs[b].at[1], isems[b])

    def process(slot, b):
        @pl.when(slot < NSLOT)
        def _():
            row0 = pl.multiple_of(slot * CHUNK, CHUNK)
            pltpu.make_async_copy(x_hbm.at[pl.ds(row0, CHUNK)], xbufs[b],
                                  gsems[b]).wait()
            pltpu.make_async_copy(batch_hbm.at[pl.ds(row0, IDXW)],
                                  ibufs[b].at[0], isems[b]).wait()
            pltpu.make_async_copy(batch_hbm.at[pl.ds(row0 + IDXW, IDXW)],
                                  ibufs[b].at[1], isems[b]).wait()

            pltpu.sync_copy(xbufs[b].at[pl.ds(0, HALF)],
                            acc2.at[ibufs[b].at[0]], add=True)
            pltpu.sync_copy(xbufs[b].at[pl.ds(HALF, HALF)],
                            acc2.at[ibufs[b].at[1]], add=True)

    issue(w, 0)
    issue(w + NW, 1)

    @pl.loop(0, TSTEPS, step=2)
    def _main(t):
        s0 = w + NW * t
        process(s0, 0)
        issue(s0 + 2 * NW, 0)
        s1 = w + NW * (t + 1)
        process(s1, 1)
        issue(s1 + 2 * NW, 1)

    plsc.subcore_barrier()

    pltpu.sync_copy(acc2.at[pl.ds(s * GROWS, GROWS)], obuf)
    pltpu.sync_copy(obuf, part_hbm.at[c, pl.ds(s * GROWS, GROWS)])


def _tc_pool(x_ref, ids_ref, o_ref):
    i = pl.program_id(0)

    @pl.when(i == 0)
    def _init():
        o_ref[...] = jnp.zeros_like(o_ref)

    base = (TCX0 + i) * TCBLK
    rows_r = base + lax.broadcasted_iota(jnp.int32, (1, TCBLK), 1)
    ids_eff = jnp.where(rows_r < N, ids_ref[0], G)
    oht = (lax.broadcasted_iota(jnp.int32, (G, TCBLK), 0)
           == ids_eff).astype(jnp.bfloat16)
    rows_c = base + lax.broadcasted_iota(jnp.int32, (TCBLK, 1), 0)
    xb = jnp.where(rows_c < N, x_ref[...], 0.0).astype(jnp.bfloat16)
    o_ref[...] += lax.dot_general(oht, xb, (((1,), (0,)), ((), ())),
                                  preferred_element_type=jnp.float32)


def _tc_add(p_ref, t_ref, o_ref):
    o_ref[...] = p_ref[0] + p_ref[1] + t_ref[...]


@jax.jit
def _pool(x, batch):
    mesh = plsc.VectorSubcoreMesh(core_axis_name="c", subcore_axis_name="s",
                                  num_cores=NC, num_subcores=NS)
    nblk = -(-N // TCBLK)
    batch3d = jnp.pad(batch, (0, nblk * TCBLK - N)).reshape(nblk, 1, TCBLK)
    tc_part = pl.pallas_call(
        _tc_pool,
        grid=(TCGRID,),
        in_specs=[
            pl.BlockSpec((TCBLK, D), lambda i: (TCX0 + i, 0)),
            pl.BlockSpec((1, 1, TCBLK), lambda i: (TCX0 + i, 0, 0)),
        ],
        out_specs=pl.BlockSpec((G, D), lambda i: (0, 0)),
        out_shape=jax.ShapeDtypeStruct((G, D), jnp.float32),
    )(x, batch3d)
    partials = pl.kernel(
        _sc_body,
        out_type=jax.ShapeDtypeStruct((NC, G, D), jnp.float32),
        mesh=mesh,
        scratch_types=[
            pltpu.VMEM((CHUNK, D), jnp.float32),
            pltpu.VMEM((CHUNK, D), jnp.float32),
            pltpu.VMEM((2, IDXW), jnp.int32),
            pltpu.VMEM((2, IDXW), jnp.int32),
            pltpu.VMEM((GROWS, D), jnp.float32),
            pltpu.VMEM_SHARED((G + 8, D), jnp.float32),
            pltpu.SemaphoreType.DMA,
            pltpu.SemaphoreType.DMA,
            pltpu.SemaphoreType.DMA,
            pltpu.SemaphoreType.DMA,
        ],
    )(x, batch)
    return pl.pallas_call(
        _tc_add,
        out_shape=jax.ShapeDtypeStruct((G, D), jnp.float32),
    )(partials, tc_part)


def kernel(x, batch):
    return _pool(x, batch.astype(jnp.int32))

# --- scband reference (transcript-rebuilt; emitter-appended) ---
"""Pipeline reference for scband-pool-15118284882317 (READ-ONLY COPY).

The authoritative reference and input builder live on the scoring server;
editing this copy changes nothing except your own understanding.
"""

import jax, jax.numpy as jnp
import numpy as np

NUM_GRAPHS = 512

def setup_inputs(seed: int = 0) -> dict:
    key = jax.random.key(seed)
    k1, k2 = jax.random.split(key)
    x = jax.random.normal(k1, (100000, 128), dtype=jnp.float32)
    batch = jnp.sort(jax.random.randint(k2, (100000,), 0, NUM_GRAPHS, dtype=jnp.int64))
    return {"x": x, "batch": batch}

def reference(x, batch):
    # global_add_pool: sum node features per graph (aggr='add')
    out = jax.ops.segment_sum(x, batch, num_segments=NUM_GRAPHS)
    return out

if __name__ == "__main__":
    import jax
    _d = setup_inputs()
    print(jax.jit(kernel)(*tuple(_d.values())))

</pallas_src>

<mosaic_0001>
#map = affine_map<(d0, d1) -> (0, 0)>
#map1 = affine_map<(d0, d1) -> (0)>
#map2 = affine_map<(d0, d1) -> (0, 0, 0)>
module attributes {stable_mosaic.version = 14 : i64} {
  func.func @_sc_body(%arg0: i32, %arg1: i32, %arg2: memref<100000x128xf32, #tpu.memory_space<hbm>>, %arg3: memref<100000xi32, #tpu.memory_space<hbm>>, %arg4: memref<2x512x128xf32, #tpu.memory_space<hbm>>, %arg5: memref<256x128xf32, #tpu.memory_space<vmem>>, %arg6: memref<256x128xf32, #tpu.memory_space<vmem>>, %arg7: memref<2x128xi32, #tpu.memory_space<vmem>>, %arg8: memref<2x128xi32, #tpu.memory_space<vmem>>, %arg9: memref<32x128xf32, #tpu.memory_space<vmem>>, %arg10: memref<520x128xf32, #tpu.memory_space<vmem_shared>>, %arg11: memref<!tpu.dma_semaphore, #tpu.memory_space<semaphore_mem>>, %arg12: memref<!tpu.dma_semaphore, #tpu.memory_space<semaphore_mem>>, %arg13: memref<!tpu.dma_semaphore, #tpu.memory_space<semaphore_mem>>, %arg14: memref<!tpu.dma_semaphore, #tpu.memory_space<semaphore_mem>>) attributes {dimension_semantics = [#tpu.dimension_semantics<core_parallel>, #tpu.dimension_semantics<subcore_parallel>], iteration_bounds = array<i64: 2, 16>, scalar_prefetch = 0 : i64, scratch_operands = 10 : i64, tpu.core_type = #tpu.core_type<sc_vector_subcore>, window_params = [{transform_indices = #map}, {transform_indices = #map1}, {transform_indices = #map2}]} {
    %mul3A = arith.constant 2 : i32
    %mul3A_0 = arith.muli %arg1, %mul3A : i32
    %add3A = arith.addi %mul3A_0, %arg0 : i32
    %scan3A = arith.constant 0 : i32
    %scan3A_1 = arith.constant 32 : i32
    %scan3A_2 = arith.addi %scan3A, %scan3A_1 : i32
    %scan3A_3 = arith.constant 1 : i32
    scf.for %scan3A_26 = %scan3A to %scan3A_2 step %scan3A_3  : i32 {
      %mul3A_27 = arith.constant 1 : i32
      %mul3A_28 = arith.muli %scan3A_26, %mul3A_27 : i32
      %add3A_29 = arith.constant 0 : i32
      %add3A_30 = arith.addi %add3A_29, %mul3A_28 : i32
      %scan3A_31 = arith.constant 0 : i32
      %scan3A_32 = arith.constant 8 : i32
      %scan3A_33 = arith.addi %scan3A_31, %scan3A_32 : i32
      %scan3A_34 = arith.constant 1 : i32
      scf.for %scan3A_36 = %scan3A_31 to %scan3A_33 step %scan3A_34  : i32 {
        %mul3A_37 = arith.constant 1 : i32
        %mul3A_38 = arith.muli %scan3A_36, %mul3A_37 : i32
        %add3A_39 = arith.constant 0 : i32
        %add3A_40 = arith.addi %add3A_39, %mul3A_38 : i32
        %broadcast_in_dim3A = arith.constant 0.000000e+00 : f32
        %broadcast_in_dim3A_41 = vector.broadcast %broadcast_in_dim3A : f32 to vector<16xf32>
        %mul3A_42 = arith.constant 16 : i32
        %mul3A_43 = arith.muli %add3A_40, %mul3A_42 : i32
        %swap3A = arith.index_cast %add3A_30 : i32 to index
        %swap3A_44 = arith.index_cast %mul3A_43 : i32 to index
        %swap3A_45 = tpu.vector_load %arg9[%swap3A, %swap3A_44] {strides = array<i32>} : memref<32x128xf32, #tpu.memory_space<vmem>>, vector<1x16xf32>,
        %swap3A_46 = vector.shape_cast %swap3A_45 : vector<1x16xf32> to vector<16xf32>
        %swap3A_47 = vector.shape_cast %broadcast_in_dim3A_41 : vector<16xf32> to vector<1x16xf32>
        tpu.vector_store %arg9[%swap3A, %swap3A_44], %swap3A_47 {strides = array<i32>} : memref<32x128xf32, #tpu.memory_space<vmem>>, vector<1x16xf32>,
      }
      %scan3A_35 = arith.constant 8 : i32
    }
    %scan3A_4 = arith.constant 32 : i32
    %mul3A_5 = arith.constant 32 : i32
    %mul3A_6 = arith.muli %arg1, %mul3A_5 : i32
    "tpu.region"() ({
      %run_scoped3A = tpu.sem_alloc : memref<!tpu.dma_semaphore, #tpu.memory_space<semaphore_mem>>
      %dma_start3A = arith.constant 0 : i32
      %dma_start3A_26 = tpu.memref_slice %arg10[%mul3A_6, %dma_start3A] : memref<520x128xf32, #tpu.memory_space<vmem_shared>> -> memref<32x128xf32, #tpu.memory_space<vmem_shared>>
      %dma_start3A_27 = arith.constant 0 : i32
      %dma_start3A_28 = tpu.memref_slice %arg10[%mul3A_6, %dma_start3A_27] : memref<520x128xf32, #tpu.memory_space<vmem_shared>> -> memref<32x128xf32, #tpu.memory_space<vmem_shared>>
      tpu.enqueue_dma source(%arg9 : memref<32x128xf32, #tpu.memory_space<vmem>>) target(%dma_start3A_28 : memref<32x128xf32, #tpu.memory_space<vmem_shared>>) target_semaphore(%run_scoped3A : memref<!tpu.dma_semaphore, #tpu.memory_space<semaphore_mem>>)
      %dma_wait3A = arith.constant 0 : i32
      %dma_wait3A_29 = tpu.memref_slice %arg10[%mul3A_6, %dma_wait3A] : memref<520x128xf32, #tpu.memory_space<vmem_shared>> -> memref<32x128xf32, #tpu.memory_space<vmem_shared>>
      %dma_wait3A_30 = arith.constant 0 : i32
      %dma_wait3A_31 = tpu.memref_slice %arg10[%mul3A_6, %dma_wait3A_30] : memref<520x128xf32, #tpu.memory_space<vmem_shared>> -> memref<32x128xf32, #tpu.memory_space<vmem_shared>>
      tpu.wait_dma2 semaphore(%run_scoped3A : memref<!tpu.dma_semaphore, #tpu.memory_space<semaphore_mem>>) src(%arg9 : memref<32x128xf32, #tpu.memory_space<vmem>>) dst(%dma_wait3A_31 : memref<32x128xf32, #tpu.memory_space<vmem_shared>>)
      tpu.yield
    }) : () -> ()
    %barrier3A = arith.constant 0 : index
    tpu.barrier barrier_id(%barrier3A)
    %lt3A = arith.constant 288 : i32
    %lt3A_7 = arith.cmpi slt, %add3A, %lt3A : i32
    %convert_element_type3A = arith.extui %lt3A_7 : i1 to i32
    %cond3A = arith.constant 0 : i32
    %cond3A_8 = arith.cmpi ne, %convert_element_type3A, %cond3A : i32
    scf.if %cond3A_8 {
      %mul3A_26 = arith.constant 256 : i32
      %mul3A_27 = arith.muli %add3A, %mul3A_26 : i32
      %multiple_of3A = tpu.assume_multiple %mul3A_27, 256 : i32
      %dma_start3A = arith.constant 0 : i32
      %dma_start3A_28 = tpu.memref_slice %arg2[%multiple_of3A, %dma_start3A] : memref<100000x128xf32, #tpu.memory_space<hbm>> -> memref<256x128xf32, #tpu.memory_space<hbm>>
      %dma_start3A_29 = arith.constant 0 : i32
      %dma_start3A_30 = tpu.memref_slice %arg2[%multiple_of3A, %dma_start3A_29] : memref<100000x128xf32, #tpu.memory_space<hbm>> -> memref<256x128xf32, #tpu.memory_space<hbm>>
      tpu.enqueue_dma source(%dma_start3A_30 : memref<256x128xf32, #tpu.memory_space<hbm>>) target(%arg5 : memref<256x128xf32, #tpu.memory_space<vmem>>) target_semaphore(%arg11 : memref<!tpu.dma_semaphore, #tpu.memory_space<semaphore_mem>>)
      %dma_start3A_31 = arith.constant 0 : i32
      %dma_start3A_32 = arith.constant 0 : i32
      %dma_start3A_33 = tpu.memref_slice %arg7[%dma_start3A_31, %dma_start3A_32] : memref<2x128xi32, #tpu.memory_space<vmem>> -> memref<1x128xi32, #tpu.memory_space<vmem>>
      %dma_start3A_34 = tpu.memref_squeeze %dma_start3A_33 : memref<1x128xi32, #tpu.memory_space<vmem>> -> memref<128xi32, #tpu.memory_space<vmem>>
      %dma_start3A_35 = tpu.memref_slice %arg3[%multiple_of3A] : memref<100000xi32, #tpu.memory_space<hbm>> -> memref<128xi32, #tpu.memory_space<hbm>>
      %dma_start3A_36 = arith.constant 0 : i32
      %dma_start3A_37 = tpu.memref_slice %arg7[%dma_start3A_31, %dma_start3A_36] : memref<2x128xi32, #tpu.memory_space<vmem>> -> memref<1x128xi32, #tpu.memory_space<vmem>>
      %dma_start3A_38 = tpu.memref_squeeze %dma_start3A_37 : memref<1x128xi32, #tpu.memory_space<vmem>> -> memref<128xi32, #tpu.memory_space<vmem>>
      %dma_start3A_39 = tpu.memref_slice %arg3[%multiple_of3A] : memref<100000xi32, #tpu.memory_space<hbm>> -> memref<128xi32, #tpu.memory_space<hbm>>
      tpu.enqueue_dma source(%dma_start3A_39 : memref<128xi32, #tpu.memory_space<hbm>>) target(%dma_start3A_38 : memref<128xi32, #tpu.memory_space<vmem>>) target_semaphore(%arg13 : memref<!tpu.dma_semaphore, #tpu.memory_space<semaphore_mem>>)
      %add3A_40 = arith.constant 128 : i32
      %add3A_41 = arith.addi %multiple_of3A, %add3A_40 : i32
      %dma_start3A_42 = arith.constant 1 : i32
      %dma_start3A_43 = arith.constant 0 : i32
      %dma_start3A_44 = tpu.memref_slice %arg7[%dma_start3A_42, %dma_start3A_43] : memref<2x128xi32, #tpu.memory_space<vmem>> -> memref<1x128xi32, #tpu.memory_space<vmem>>
      %dma_start3A_45 = tpu.memref_squeeze %dma_start3A_44 : memref<1x128xi32, #tpu.memory_space<vmem>> -> memref<128xi32, #tpu.memory_space<vmem>>
      %dma_start3A_46 = tpu.memref_slice %arg3[%add3A_41] : memref<100000xi32, #tpu.memory_space<hbm>> -> memref<128xi32, #tpu.memory_space<hbm>>
      %dma_start3A_47 = arith.constant 0 : i32
      %dma_start3A_48 = tpu.memref_slice %arg7[%dma_start3A_42, %dma_start3A_47] : memref<2x128xi32, #tpu.memory_space<vmem>> -> memref<1x128xi32, #tpu.memory_space<vmem>>
      %dma_start3A_49 = tpu.memref_squeeze %dma_start3A_48 : memref<1x128xi32, #tpu.memory_space<vmem>> -> memref<128xi32, #tpu.memory_space<vmem>>
      %dma_start3A_50 = tpu.memref_slice %arg3[%add3A_41] : memref<100000xi32, #tpu.memory_space<hbm>> -> memref<128xi32, #tpu.memory_space<hbm>>
      tpu.enqueue_dma source(%dma_start3A_50 : memref<128xi32, #tpu.memory_space<hbm>>) target(%dma_start3A_49 : memref<128xi32, #tpu.memory_space<vmem>>) target_semaphore(%arg13 : memref<!tpu.dma_semaphore, #tpu.memory_space<semaphore_mem>>)
    } else {
    }
    %add3A_9 = arith.constant 32 : i32
    %add3A_10 = arith.addi %add3A, %add3A_9 : i32
    %lt3A_11 = arith.constant 288 : i32
    %lt3A_12 = arith.cmpi slt, %add3A_10, %lt3A_11 : i32
    %convert_element_type3A_13 = arith.extui %lt3A_12 : i1 to i32
    %cond3A_14 = arith.constant 0 : i32
    %cond3A_15 = arith.cmpi ne, %convert_element_type3A_13, %cond3A_14 : i32
    scf.if %cond3A_15 {
      %mul3A_26 = arith.constant 256 : i32
      %mul3A_27 = arith.muli %add3A_10, %mul3A_26 : i32
      %multiple_of3A = tpu.assume_multiple %mul3A_27, 256 : i32
      %dma_start3A = arith.constant 0 : i32
      %dma_start3A_28 = tpu.memref_slice %arg2[%multiple_of3A, %dma_start3A] : memref<100000x128xf32, #tpu.memory_space<hbm>> -> memref<256x128xf32, #tpu.memory_space<hbm>>
      %dma_start3A_29 = arith.constant 0 : i32
      %dma_start3A_30 = tpu.memref_slice %arg2[%multiple_of3A, %dma_start3A_29] : memref<100000x128xf32, #tpu.memory_space<hbm>> -> memref<256x128xf32, #tpu.memory_space<hbm>>
      tpu.enqueue_dma source(%dma_start3A_30 : memref<256x128xf32, #tpu.memory_space<hbm>>) target(%arg6 : memref<256x128xf32, #tpu.memory_space<vmem>>) target_semaphore(%arg12 : memref<!tpu.dma_semaphore, #tpu.memory_space<semaphore_mem>>)
      %dma_start3A_31 = arith.constant 0 : i32
      %dma_start3A_32 = arith.constant 0 : i32
      %dma_start3A_33 = tpu.memref_slice %arg8[%dma_start3A_31, %dma_start3A_32] : memref<2x128xi32, #tpu.memory_space<vmem>> -> memref<1x128xi32, #tpu.memory_space<vmem>>
      %dma_start3A_34 = tpu.memref_squeeze %dma_start3A_33 : memref<1x128xi32, #tpu.memory_space<vmem>> -> memref<128xi32, #tpu.memory_space<vmem>>
      %dma_start3A_35 = tpu.memref_slice %arg3[%multiple_of3A] : memref<100000xi32, #tpu.memory_space<hbm>> -> memref<128xi32, #tpu.memory_space<hbm>>
      %dma_start3A_36 = arith.constant 0 : i32
      %dma_start3A_37 = tpu.memref_slice %arg8[%dma_start3A_31, %dma_start3A_36] : memref<2x128xi32, #tpu.memory_space<vmem>> -> memref<1x128xi32, #tpu.memory_space<vmem>>
      %dma_start3A_38 = tpu.memref_squeeze %dma_start3A_37 : memref<1x128xi32, #tpu.memory_space<vmem>> -> memref<128xi32, #tpu.memory_space<vmem>>
      %dma_start3A_39 = tpu.memref_slice %arg3[%multiple_of3A] : memref<100000xi32, #tpu.memory_space<hbm>> -> memref<128xi32, #tpu.memory_space<hbm>>
      tpu.enqueue_dma source(%dma_start3A_39 : memref<128xi32, #tpu.memory_space<hbm>>) target(%dma_start3A_38 : memref<128xi32, #tpu.memory_space<vmem>>) target_semaphore(%arg14 : memref<!tpu.dma_semaphore, #tpu.memory_space<semaphore_mem>>)
      %add3A_40 = arith.constant 128 : i32
      %add3A_41 = arith.addi %multiple_of3A, %add3A_40 : i32
      %dma_start3A_42 = arith.constant 1 : i32
      %dma_start3A_43 = arith.constant 0 : i32
      %dma_start3A_44 = tpu.memref_slice %arg8[%dma_start3A_42, %dma_start3A_43] : memref<2x128xi32, #tpu.memory_space<vmem>> -> memref<1x128xi32, #tpu.memory_space<vmem>>
      %dma_start3A_45 = tpu.memref_squeeze %dma_start3A_44 : memref<1x128xi32, #tpu.memory_space<vmem>> -> memref<128xi32, #tpu.memory_space<vmem>>
      %dma_start3A_46 = tpu.memref_slice %arg3[%add3A_41] : memref<100000xi32, #tpu.memory_space<hbm>> -> memref<128xi32, #tpu.memory_space<hbm>>
      %dma_start3A_47 = arith.constant 0 : i32
      %dma_start3A_48 = tpu.memref_slice %arg8[%dma_start3A_42, %dma_start3A_47] : memref<2x128xi32, #tpu.memory_space<vmem>> -> memref<1x128xi32, #tpu.memory_space<vmem>>
      %dma_start3A_49 = tpu.memref_squeeze %dma_start3A_48 : memref<1x128xi32, #tpu.memory_space<vmem>> -> memref<128xi32, #tpu.memory_space<vmem>>
      %dma_start3A_50 = tpu.memref_slice %arg3[%add3A_41] : memref<100000xi32, #tpu.memory_space<hbm>> -> memref<128xi32, #tpu.memory_space<hbm>>
      tpu.enqueue_dma source(%dma_start3A_50 : memref<128xi32, #tpu.memory_space<hbm>>) target(%dma_start3A_49 : memref<128xi32, #tpu.memory_space<vmem>>) target_semaphore(%arg14 : memref<!tpu.dma_semaphore, #tpu.memory_space<semaphore_mem>>)
    } else {
    }
    %scan3A_16 = arith.constant 0 : i32
    %scan3A_17 = arith.constant 5 : i32
    %scan3A_18 = arith.addi %scan3A_16, %scan3A_17 : i32
    %scan3A_19 = arith.constant 1 : i32
    scf.for %scan3A_26 = %scan3A_16 to %scan3A_18 step %scan3A_19  : i32 {
      %mul3A_27 = arith.constant 2 : i32
      %mul3A_28 = arith.muli %scan3A_26, %mul3A_27 : i32
      %add3A_29 = arith.constant 0 : i32
      %add3A_30 = arith.addi %add3A_29, %mul3A_28 : i32
      %mul3A_31 = arith.constant 32 : i32
      %mul3A_32 = arith.muli %mul3A_31, %add3A_30 : i32
      %add3A_33 = arith.addi %add3A, %mul3A_32 : i32
      %lt3A_34 = arith.constant 288 : i32
      %lt3A_35 = arith.cmpi slt, %add3A_33, %lt3A_34 : i32
      %convert_element_type3A_36 = arith.extui %lt3A_35 : i1 to i32
      %cond3A_37 = arith.constant 0 : i32
      %cond3A_38 = arith.cmpi ne, %convert_element_type3A_36, %cond3A_37 : i32
      scf.if %cond3A_38 {
        %mul3A_63 = arith.constant 256 : i32
        %mul3A_64 = arith.muli %add3A_33, %mul3A_63 : i32
        %multiple_of3A = tpu.assume_multiple %mul3A_64, 256 : i32
        %dma_wait3A = arith.constant 0 : i32
        %dma_wait3A_65 = tpu.memref_slice %arg2[%multiple_of3A, %dma_wait3A] : memref<100000x128xf32, #tpu.memory_space<hbm>> -> memref<256x128xf32, #tpu.memory_space<hbm>>
        %dma_wait3A_66 = arith.constant 0 : i32
        %dma_wait3A_67 = tpu.memref_slice %arg2[%multiple_of3A, %dma_wait3A_66] : memref<100000x128xf32, #tpu.memory_space<hbm>> -> memref<256x128xf32, #tpu.memory_space<hbm>>
        tpu.wait_dma2 semaphore(%arg11 : memref<!tpu.dma_semaphore, #tpu.memory_space<semaphore_mem>>) src(%dma_wait3A_67 : memref<256x128xf32, #tpu.memory_space<hbm>>) dst(%arg5 : memref<256x128xf32, #tpu.memory_space<vmem>>)
        %dma_wait3A_68 = arith.constant 0 : i32
        %dma_wait3A_69 = arith.constant 0 : i32
        %dma_wait3A_70 = tpu.memref_slice %arg7[%dma_wait3A_68, %dma_wait3A_69] : memref<2x128xi32, #tpu.memory_space<vmem>> -> memref<1x128xi32, #tpu.memory_space<vmem>>
        %dma_wait3A_71 = tpu.memref_squeeze %dma_wait3A_70 : memref<1x128xi32, #tpu.memory_space<vmem>> -> memref<128xi32, #tpu.memory_space<vmem>>
        %dma_wait3A_72 = tpu.memref_slice %arg3[%multiple_of3A] : memref<100000xi32, #tpu.memory_space<hbm>> -> memref<128xi32, #tpu.memory_space<hbm>>
        %dma_wait3A_73 = arith.constant 0 : i32
        %dma_wait3A_74 = tpu.memref_slice %arg7[%dma_wait3A_68, %dma_wait3A_73] : memref<2x128xi32, #tpu.memory_space<vmem>> -> memref<1x128xi32, #tpu.memory_space<vmem>>
        %dma_wait3A_75 = tpu.memref_squeeze %dma_wait3A_74 : memref<1x128xi32, #tpu.memory_space<vmem>> -> memref<128xi32, #tpu.memory_space<vmem>>
        %dma_wait3A_76 = tpu.memref_slice %arg3[%multiple_of3A] : memref<100000xi32, #tpu.memory_space<hbm>> -> memref<128xi32, #tpu.memory_space<hbm>>
        tpu.wait_dma2 semaphore(%arg13 : memref<!tpu.dma_semaphore, #tpu.memory_space<semaphore_mem>>) src(%dma_wait3A_76 : memref<128xi32, #tpu.memory_space<hbm>>) dst(%dma_wait3A_75 : memref<128xi32, #tpu.memory_space<vmem>>)
        %add3A_77 = arith.constant 128 : i32
        %add3A_78 = arith.addi %multiple_of3A, %add3A_77 : i32
        %dma_wait3A_79 = arith.constant 1 : i32
        %dma_wait3A_80 = arith.constant 0 : i32
        %dma_wait3A_81 = tpu.memref_slice %arg7[%dma_wait3A_79, %dma_wait3A_80] : memref<2x128xi32, #tpu.memory_space<vmem>> -> memref<1x128xi32, #tpu.memory_space<vmem>>
        %dma_wait3A_82 = tpu.memref_squeeze %dma_wait3A_81 : memref<1x128xi32, #tpu.memory_space<vmem>> -> memref<128xi32, #tpu.memory_space<vmem>>
        %dma_wait3A_83 = tpu.memref_slice %arg3[%add3A_78] : memref<100000xi32, #tpu.memory_space<hbm>> -> memref<128xi32, #tpu.memory_space<hbm>>
        %dma_wait3A_84 = arith.constant 0 : i32
        %dma_wait3A_85 = tpu.memref_slice %arg7[%dma_wait3A_79, %dma_wait3A_84] : memref<2x128xi32, #tpu.memory_space<vmem>> -> memref<1x128xi32, #tpu.memory_space<vmem>>
        %dma_wait3A_86 = tpu.memref_squeeze %dma_wait3A_85 : memref<1x128xi32, #tpu.memory_space<vmem>> -> memref<128xi32, #tpu.memory_space<vmem>>
        %dma_wait3A_87 = tpu.memref_slice %arg3[%add3A_78] : memref<100000xi32, #tpu.memory_space<hbm>> -> memref<128xi32, #tpu.memory_space<hbm>>
        tpu.wait_dma2 semaphore(%arg13 : memref<!tpu.dma_semaphore, #tpu.memory_space<semaphore_mem>>) src(%dma_wait3A_87 : memref<128xi32, #tpu.memory_space<hbm>>) dst(%dma_wait3A_86 : memref<128xi32, #tpu.memory_space<vmem>>)
        %run_scoped3A = arith.constant 0 : i32
        "tpu.region"() ({
          %run_scoped3A_89 = tpu.sem_alloc : memref<!tpu.dma_semaphore, #tpu.memory_space<semaphore_mem>>
          %dma_start3A = arith.constant 0 : i32
          %dma_start3A_90 = arith.constant 0 : i32
          %dma_start3A_91 = tpu.memref_slice %arg5[%dma_start3A, %dma_start3A_90] : memref<256x128xf32, #tpu.memory_space<vmem>> -> memref<128x128xf32, #tpu.memory_space<vmem>>
          %dma_start3A_92 = arith.constant 0 : i32
          %dma_start3A_93 = tpu.memref_slice %arg7[%run_scoped3A, %dma_start3A_92] : memref<2x128xi32, #tpu.memory_space<vmem>> -> memref<1x128xi32, #tpu.memory_space<vmem>>
          %dma_start3A_94 = tpu.memref_squeeze %dma_start3A_93 : memref<1x128xi32, #tpu.memory_space<vmem>> -> memref<128xi32, #tpu.memory_space<vmem>>
          %dma_start3A_95 = arith.constant 0 : i32
          %dma_start3A_96 = arith.constant 0 : i32
          %dma_start3A_97 = tpu.memref_slice %arg10[%dma_start3A_95, %dma_start3A_96] : memref<520x128xf32, #tpu.memory_space<vmem_shared>> -> memref<520x128xf32, #tpu.memory_space<vmem_shared>>
          tpu.enqueue_indirect_dma source(%dma_start3A_91 : memref<128x128xf32, #tpu.memory_space<vmem>>) target(%dma_start3A_97 : memref<520x128xf32, #tpu.memory_space<vmem_shared>>) offsets(%dma_start3A_94 : memref<128xi32, #tpu.memory_space<vmem>>) semaphore(%run_scoped3A_89 : memref<!tpu.dma_semaphore, #tpu.memory_space<semaphore_mem>>) {add = true}
          %dma_wait3A_98 = arith.constant 0 : i32
          %dma_wait3A_99 = arith.constant 0 : i32
          %dma_wait3A_100 = tpu.memref_slice %arg5[%dma_wait3A_98, %dma_wait3A_99] : memref<256x128xf32, #tpu.memory_space<vmem>> -> memref<128x128xf32, #tpu.memory_space<vmem>>
          %dma_wait3A_101 = arith.constant 0 : i32
          %dma_wait3A_102 = tpu.memref_slice %arg7[%run_scoped3A, %dma_wait3A_101] : memref<2x128xi32, #tpu.memory_space<vmem>> -> memref<1x128xi32, #tpu.memory_space<vmem>>
          %dma_wait3A_103 = tpu.memref_squeeze %dma_wait3A_102 : memref<1x128xi32, #tpu.memory_space<vmem>> -> memref<128xi32, #tpu.memory_space<vmem>>
          %dma_wait3A_104 = arith.constant 0 : i32
          %dma_wait3A_105 = arith.constant 0 : i32
          %dma_wait3A_106 = tpu.memref_slice %arg10[%dma_wait3A_104, %dma_wait3A_105] : memref<520x128xf32, #tpu.memory_space<vmem_shared>> -> memref<520x128xf32, #tpu.memory_space<vmem_shared>>
          tpu.wait_indirect_dma semaphore(%run_scoped3A_89 : memref<!tpu.dma_semaphore, #tpu.memory_space<semaphore_mem>>) src(%dma_wait3A_100 : memref<128x128xf32, #tpu.memory_space<vmem>>) dst(%dma_wait3A_106 : memref<520x128xf32, #tpu.memory_space<vmem_shared>>)
          tpu.yield
        }) : () -> ()
        %run_scoped3A_88 = arith.constant 1 : i32
        "tpu.region"() ({
          %run_scoped3A_89 = tpu.sem_alloc : memref<!tpu.dma_semaphore, #tpu.memory_space<semaphore_mem>>
          %dma_start3A = arith.constant 128 : i32
          %dma_start3A_90 = arith.constant 0 : i32
          %dma_start3A_91 = tpu.memref_slice %arg5[%dma_start3A, %dma_start3A_90] : memref<256x128xf32, #tpu.memory_space<vmem>> -> memref<128x128xf32, #tpu.memory_space<vmem>>
          %dma_start3A_92 = arith.constant 0 : i32
          %dma_start3A_93 = tpu.memref_slice %arg7[%run_scoped3A_88, %dma_start3A_92] : memref<2x128xi32, #tpu.memory_space<vmem>> -> memref<1x128xi32, #tpu.memory_space<vmem>>
          %dma_start3A_94 = tpu.memref_squeeze %dma_start3A_93 : memref<1x128xi32, #tpu.memory_space<vmem>> -> memref<128xi32, #tpu.memory_space<vmem>>
          %dma_start3A_95 = arith.constant 0 : i32
          %dma_start3A_96 = arith.constant 0 : i32
          %dma_start3A_97 = tpu.memref_slice %arg10[%dma_start3A_95, %dma_start3A_96] : memref<520x128xf32, #tpu.memory_space<vmem_shared>> -> memref<520x128xf32, #tpu.memory_space<vmem_shared>>
          tpu.enqueue_indirect_dma source(%dma_start3A_91 : memref<128x128xf32, #tpu.memory_space<vmem>>) target(%dma_start3A_97 : memref<520x128xf32, #tpu.memory_space<vmem_shared>>) offsets(%dma_start3A_94 : memref<128xi32, #tpu.memory_space<vmem>>) semaphore(%run_scoped3A_89 : memref<!tpu.dma_semaphore, #tpu.memory_space<semaphore_mem>>) {add = true}
          %dma_wait3A_98 = arith.constant 128 : i32
          %dma_wait3A_99 = arith.constant 0 : i32
          %dma_wait3A_100 = tpu.memref_slice %arg5[%dma_wait3A_98, %dma_wait3A_99] : memref<256x128xf32, #tpu.memory_space<vmem>> -> memref<128x128xf32, #tpu.memory_space<vmem>>
          %dma_wait3A_101 = arith.constant 0 : i32
          %dma_wait3A_102 = tpu.memref_slice %arg7[%run_scoped3A_88, %dma_wait3A_101] : memref<2x128xi32, #tpu.memory_space<vmem>> -> memref<1x128xi32, #tpu.memory_space<vmem>>
          %dma_wait3A_103 = tpu.memref_squeeze %dma_wait3A_102 : memref<1x128xi32, #tpu.memory_space<vmem>> -> memref<128xi32, #tpu.memory_space<vmem>>
          %dma_wait3A_104 = arith.constant 0 : i32
          %dma_wait3A_105 = arith.constant 0 : i32
          %dma_wait3A_106 = tpu.memref_slice %arg10[%dma_wait3A_104, %dma_wait3A_105] : memref<520x128xf32, #tpu.memory_space<vmem_shared>> -> memref<520x128xf32, #tpu.memory_space<vmem_shared>>
          tpu.wait_indirect_dma semaphore(%run_scoped3A_89 : memref<!tpu.dma_semaphore, #tpu.memory_space<semaphore_mem>>) src(%dma_wait3A_100 : memref<128x128xf32, #tpu.memory_space<vmem>>) dst(%dma_wait3A_106 : memref<520x128xf32, #tpu.memory_space<vmem_shared>>)
          tpu.yield
        }) : () -> ()
      } else {
      }
      %add3A_39 = arith.constant 64 : i32
      %add3A_40 = arith.addi %add3A_33, %add3A_39 : i32
      %lt3A_41 = arith.constant 288 : i32
      %lt3A_42 = arith.cmpi slt, %add3A_40, %lt3A_41 : i32
      %convert_element_type3A_43 = arith.extui %lt3A_42 : i1 to i32
      %cond3A_44 = arith.constant 0 : i32
      %cond3A_45 = arith.cmpi ne, %convert_element_type3A_43, %cond3A_44 : i32
      scf.if %cond3A_45 {
        %mul3A_63 = arith.constant 256 : i32
        %mul3A_64 = arith.muli %add3A_40, %mul3A_63 : i32
        %multiple_of3A = tpu.assume_multiple %mul3A_64, 256 : i32
        %dma_start3A = arith.constant 0 : i32
        %dma_start3A_65 = tpu.memref_slice %arg2[%multiple_of3A, %dma_start3A] : memref<100000x128xf32, #tpu.memory_space<hbm>> -> memref<256x128xf32, #tpu.memory_space<hbm>>
        %dma_start3A_66 = arith.constant 0 : i32
        %dma_start3A_67 = tpu.memref_slice %arg2[%multiple_of3A, %dma_start3A_66] : memref<100000x128xf32, #tpu.memory_space<hbm>> -> memref<256x128xf32, #tpu.memory_space<hbm>>
        tpu.enqueue_dma source(%dma_start3A_67 : memref<256x128xf32, #tpu.memory_space<hbm>>) target(%arg5 : memref<256x128xf32, #tpu.memory_space<vmem>>) target_semaphore(%arg11 : memref<!tpu.dma_semaphore, #tpu.memory_space<semaphore_mem>>)
        %dma_start3A_68 = arith.constant 0 : i32
        %dma_start3A_69 = arith.constant 0 : i32
        %dma_start3A_70 = tpu.memref_slice %arg7[%dma_start3A_68, %dma_start3A_69] : memref<2x128xi32, #tpu.memory_space<vmem>> -> memref<1x128xi32, #tpu.memory_space<vmem>>
        %dma_start3A_71 = tpu.memref_squeeze %dma_start3A_70 : memref<1x128xi32, #tpu.memory_space<vmem>> -> memref<128xi32, #tpu.memory_space<vmem>>
        %dma_start3A_72 = tpu.memref_slice %arg3[%multiple_of3A] : memref<100000xi32, #tpu.memory_space<hbm>> -> memref<128xi32, #tpu.memory_space<hbm>>
        %dma_start3A_73 = arith.constant 0 : i32
        %dma_start3A_74 = tpu.memref_slice %arg7[%dma_start3A_68, %dma_start3A_73] : memref<2x128xi32, #tpu.memory_space<vmem>> -> memref<1x128xi32, #tpu.memory_space<vmem>>
        %dma_start3A_75 = tpu.memref_squeeze %dma_start3A_74 : memref<1x128xi32, #tpu.memory_space<vmem>> -> memref<128xi32, #tpu.memory_space<vmem>>
        %dma_start3A_76 = tpu.memref_slice %arg3[%multiple_of3A] : memref<100000xi32, #tpu.memory_space<hbm>> -> memref<128xi32, #tpu.memory_space<hbm>>
        tpu.enqueue_dma source(%dma_start3A_76 : memref<128xi32, #tpu.memory_space<hbm>>) target(%dma_start3A_75 : memref<128xi32, #tpu.memory_space<vmem>>) target_semaphore(%arg13 : memref<!tpu.dma_semaphore, #tpu.memory_space<semaphore_mem>>)
        %add3A_77 = arith.constant 128 : i32
        %add3A_78 = arith.addi %multiple_of3A, %add3A_77 : i32
        %dma_start3A_79 = arith.constant 1 : i32
        %dma_start3A_80 = arith.constant 0 : i32
        %dma_start3A_81 = tpu.memref_slice %arg7[%dma_start3A_79, %dma_start3A_80] : memref<2x128xi32, #tpu.memory_space<vmem>> -> memref<1x128xi32, #tpu.memory_space<vmem>>
        %dma_start3A_82 = tpu.memref_squeeze %dma_start3A_81 : memref<1x128xi32, #tpu.memory_space<vmem>> -> memref<128xi32, #tpu.memory_space<vmem>>
        %dma_start3A_83 = tpu.memref_slice %arg3[%add3A_78] : memref<100000xi32, #tpu.memory_space<hbm>> -> memref<128xi32, #tpu.memory_space<hbm>>
        %dma_start3A_84 = arith.constant 0 : i32
        %dma_start3A_85 = tpu.memref_slice %arg7[%dma_start3A_79, %dma_start3A_84] : memref<2x128xi32, #tpu.memory_space<vmem>> -> memref<1x128xi32, #tpu.memory_space<vmem>>
        %dma_start3A_86 = tpu.memref_squeeze %dma_start3A_85 : memref<1x128xi32, #tpu.memory_space<vmem>> -> memref<128xi32, #tpu.memory_space<vmem>>
        %dma_start3A_87 = tpu.memref_slice %arg3[%add3A_78] : memref<100000xi32, #tpu.memory_space<hbm>> -> memref<128xi32, #tpu.memory_space<hbm>>
        tpu.enqueue_dma source(%dma_start3A_87 : memref<128xi32, #tpu.memory_space<hbm>>) target(%dma_start3A_86 : memref<128xi32, #tpu.memory_space<vmem>>) target_semaphore(%arg13 : memref<!tpu.dma_semaphore, #tpu.memory_space<semaphore_mem>>)
      } else {
      }
      %add3A_46 = arith.constant 1 : i32
      %add3A_47 = arith.addi %add3A_30, %add3A_46 : i32
      %mul3A_48 = arith.constant 32 : i32
      %mul3A_49 = arith.muli %mul3A_48, %add3A_47 : i32
      %add3A_50 = arith.addi %add3A, %mul3A_49 : i32
      %lt3A_51 = arith.constant 288 : i32
      %lt3A_52 = arith.cmpi slt, %add3A_50, %lt3A_51 : i32
      %convert_element_type3A_53 = arith.extui %lt3A_52 : i1 to i32
      %cond3A_54 = arith.constant 0 : i32
      %cond3A_55 = arith.cmpi ne, %convert_element_type3A_53, %cond3A_54 : i32
      scf.if %cond3A_55 {
        %mul3A_63 = arith.constant 256 : i32
        %mul3A_64 = arith.muli %add3A_50, %mul3A_63 : i32
        %multiple_of3A = tpu.assume_multiple %mul3A_64, 256 : i32
        %dma_wait3A = arith.constant 0 : i32
        %dma_wait3A_65 = tpu.memref_slice %arg2[%multiple_of3A, %dma_wait3A] : memref<100000x128xf32, #tpu.memory_space<hbm>> -> memref<256x128xf32, #tpu.memory_space<hbm>>
        %dma_wait3A_66 = arith.constant 0 : i32
        %dma_wait3A_67 = tpu.memref_slice %arg2[%multiple_of3A, %dma_wait3A_66] : memref<100000x128xf32, #tpu.memory_space<hbm>> -> memref<256x128xf32, #tpu.memory_space<hbm>>
        tpu.wait_dma2 semaphore(%arg12 : memref<!tpu.dma_semaphore, #tpu.memory_space<semaphore_mem>>) src(%dma_wait3A_67 : memref<256x128xf32, #tpu.memory_space<hbm>>) dst(%arg6 : memref<256x128xf32, #tpu.memory_space<vmem>>)
        %dma_wait3A_68 = arith.constant 0 : i32
        %dma_wait3A_69 = arith.constant 0 : i32
        %dma_wait3A_70 = tpu.memref_slice %arg8[%dma_wait3A_68, %dma_wait3A_69] : memref<2x128xi32, #tpu.memory_space<vmem>> -> memref<1x128xi32, #tpu.memory_space<vmem>>
        %dma_wait3A_71 = tpu.memref_squeeze %dma_wait3A_70 : memref<1x128xi32, #tpu.memory_space<vmem>> -> memref<128xi32, #tpu.memory_space<vmem>>
        %dma_wait3A_72 = tpu.memref_slice %arg3[%multiple_of3A] : memref<100000xi32, #tpu.memory_space<hbm>> -> memref<128xi32, #tpu.memory_space<hbm>>
        %dma_wait3A_73 = arith.constant 0 : i32
        %dma_wait3A_74 = tpu.memref_slice %arg8[%dma_wait3A_68, %dma_wait3A_73] : memref<2x128xi32, #tpu.memory_space<vmem>> -> memref<1x128xi32, #tpu.memory_space<vmem>>
        %dma_wait3A_75 = tpu.memref_squeeze %dma_wait3A_74 : memref<1x128xi32, #tpu.memory_space<vmem>> -> memref<128xi32, #tpu.memory_space<vmem>>
        %dma_wait3A_76 = tpu.memref_slice %arg3[%multiple_of3A] : memref<100000xi32, #tpu.memory_space<hbm>> -> memref<128xi32, #tpu.memory_space<hbm>>
        tpu.wait_dma2 semaphore(%arg14 : memref<!tpu.dma_semaphore, #tpu.memory_space<semaphore_mem>>) src(%dma_wait3A_76 : memref<128xi32, #tpu.memory_space<hbm>>) dst(%dma_wait3A_75 : memref<128xi32, #tpu.memory_space<vmem>>)
        %add3A_77 = arith.constant 128 : i32
        %add3A_78 = arith.addi %multiple_of3A, %add3A_77 : i32
        %dma_wait3A_79 = arith.constant 1 : i32
        %dma_wait3A_80 = arith.constant 0 : i32
        %dma_wait3A_81 = tpu.memref_slice %arg8[%dma_wait3A_79, %dma_wait3A_80] : memref<2x128xi32, #tpu.memory_space<vmem>> -> memref<1x128xi32, #tpu.memory_space<vmem>>
        %dma_wait3A_82 = tpu.memref_squeeze %dma_wait3A_81 : memref<1x128xi32, #tpu.memory_space<vmem>> -> memref<128xi32, #tpu.memory_space<vmem>>
        %dma_wait3A_83 = tpu.memref_slice %arg3[%add3A_78] : memref<100000xi32, #tpu.memory_space<hbm>> -> memref<128xi32, #tpu.memory_space<hbm>>
        %dma_wait3A_84 = arith.constant 0 : i32
        %dma_wait3A_85 = tpu.memref_slice %arg8[%dma_wait3A_79, %dma_wait3A_84] : memref<2x128xi32, #tpu.memory_space<vmem>> -> memref<1x128xi32, #tpu.memory_space<vmem>>
        %dma_wait3A_86 = tpu.memref_squeeze %dma_wait3A_85 : memref<1x128xi32, #tpu.memory_space<vmem>> -> memref<128xi32, #tpu.memory_space<vmem>>
        %dma_wait3A_87 = tpu.memref_slice %arg3[%add3A_78] : memref<100000xi32, #tpu.memory_space<hbm>> -> memref<128xi32, #tpu.memory_space<hbm>>
        tpu.wait_dma2 semaphore(%arg14 : memref<!tpu.dma_semaphore, #tpu.memory_space<semaphore_mem>>) src(%dma_wait3A_87 : memref<128xi32, #tpu.memory_space<hbm>>) dst(%dma_wait3A_86 : memref<128xi32, #tpu.memory_space<vmem>>)
        %run_scoped3A = arith.constant 0 : i32
        "tpu.region"() ({
          %run_scoped3A_89 = tpu.sem_alloc : memref<!tpu.dma_semaphore, #tpu.memory_space<semaphore_mem>>
          %dma_start3A = arith.constant 0 : i32
          %dma_start3A_90 = arith.constant 0 : i32
          %dma_start3A_91 = tpu.memref_slice %arg6[%dma_start3A, %dma_start3A_90] : memref<256x128xf32, #tpu.memory_space<vmem>> -> memref<128x128xf32, #tpu.memory_space<vmem>>
          %dma_start3A_92 = arith.constant 0 : i32
          %dma_start3A_93 = tpu.memref_slice %arg8[%run_scoped3A, %dma_start3A_92] : memref<2x128xi32, #tpu.memory_space<vmem>> -> memref<1x128xi32, #tpu.memory_space<vmem>>
          %dma_start3A_94 = tpu.memref_squeeze %dma_start3A_93 : memref<1x128xi32, #tpu.memory_space<vmem>> -> memref<128xi32, #tpu.memory_space<vmem>>
          %dma_start3A_95 = arith.constant 0 : i32
          %dma_start3A_96 = arith.constant 0 : i32
          %dma_start3A_97 = tpu.memref_slice %arg10[%dma_start3A_95, %dma_start3A_96] : memref<520x128xf32, #tpu.memory_space<vmem_shared>> -> memref<520x128xf32, #tpu.memory_space<vmem_shared>>
          tpu.enqueue_indirect_dma source(%dma_start3A_91 : memref<128x128xf32, #tpu.memory_space<vmem>>) target(%dma_start3A_97 : memref<520x128xf32, #tpu.memory_space<vmem_shared>>) offsets(%dma_start3A_94 : memref<128xi32, #tpu.memory_space<vmem>>) semaphore(%run_scoped3A_89 : memref<!tpu.dma_semaphore, #tpu.memory_space<semaphore_mem>>) {add = true}
          %dma_wait3A_98 = arith.constant 0 : i32
          %dma_wait3A_99 = arith.constant 0 : i32
          %dma_wait3A_100 = tpu.memref_slice %arg6[%dma_wait3A_98, %dma_wait3A_99] : memref<256x128xf32, #tpu.memory_space<vmem>> -> memref<128x128xf32, #tpu.memory_space<vmem>>
          %dma_wait3A_101 = arith.constant 0 : i32
          %dma_wait3A_102 = tpu.memref_slice %arg8[%run_scoped3A, %dma_wait3A_101] : memref<2x128xi32, #tpu.memory_space<vmem>> -> memref<1x128xi32, #tpu.memory_space<vmem>>
          %dma_wait3A_103 = tpu.memref_squeeze %dma_wait3A_102 : memref<1x128xi32, #tpu.memory_space<vmem>> -> memref<128xi32, #tpu.memory_space<vmem>>
          %dma_wait3A_104 = arith.constant 0 : i32
          %dma_wait3A_105 = arith.constant 0 : i32
          %dma_wait3A_106 = tpu.memref_slice %arg10[%dma_wait3A_104, %dma_wait3A_105] : memref<520x128xf32, #tpu.memory_space<vmem_shared>> -> memref<520x128xf32, #tpu.memory_space<vmem_shared>>
          tpu.wait_indirect_dma semaphore(%run_scoped3A_89 : memref<!tpu.dma_semaphore, #tpu.memory_space<semaphore_mem>>) src(%dma_wait3A_100 : memref<128x128xf32, #tpu.memory_space<vmem>>) dst(%dma_wait3A_106 : memref<520x128xf32, #tpu.memory_space<vmem_shared>>)
          tpu.yield
        }) : () -> ()
        %run_scoped3A_88 = arith.constant 1 : i32
        "tpu.region"() ({
          %run_scoped3A_89 = tpu.sem_alloc : memref<!tpu.dma_semaphore, #tpu.memory_space<semaphore_mem>>
          %dma_start3A = arith.constant 128 : i32
          %dma_start3A_90 = arith.constant 0 : i32
          %dma_start3A_91 = tpu.memref_slice %arg6[%dma_start3A, %dma_start3A_90] : memref<256x128xf32, #tpu.memory_space<vmem>> -> memref<128x128xf32, #tpu.memory_space<vmem>>
          %dma_start3A_92 = arith.constant 0 : i32
          %dma_start3A_93 = tpu.memref_slice %arg8[%run_scoped3A_88, %dma_start3A_92] : memref<2x128xi32, #tpu.memory_space<vmem>> -> memref<1x128xi32, #tpu.memory_space<vmem>>
          %dma_start3A_94 = tpu.memref_squeeze %dma_start3A_93 : memref<1x128xi32, #tpu.memory_space<vmem>> -> memref<128xi32, #tpu.memory_space<vmem>>
          %dma_start3A_95 = arith.constant 0 : i32
          %dma_start3A_96 = arith.constant 0 : i32
          %dma_start3A_97 = tpu.memref_slice %arg10[%dma_start3A_95, %dma_start3A_96] : memref<520x128xf32, #tpu.memory_space<vmem_shared>> -> memref<520x128xf32, #tpu.memory_space<vmem_shared>>
          tpu.enqueue_indirect_dma source(%dma_start3A_91 : memref<128x128xf32, #tpu.memory_space<vmem>>) target(%dma_start3A_97 : memref<520x128xf32, #tpu.memory_space<vmem_shared>>) offsets(%dma_start3A_94 : memref<128xi32, #tpu.memory_space<vmem>>) semaphore(%run_scoped3A_89 : memref<!tpu.dma_semaphore, #tpu.memory_space<semaphore_mem>>) {add = true}
          %dma_wait3A_98 = arith.constant 128 : i32
          %dma_wait3A_99 = arith.constant 0 : i32
          %dma_wait3A_100 = tpu.memref_slice %arg6[%dma_wait3A_98, %dma_wait3A_99] : memref<256x128xf32, #tpu.memory_space<vmem>> -> memref<128x128xf32, #tpu.memory_space<vmem>>
          %dma_wait3A_101 = arith.constant 0 : i32
          %dma_wait3A_102 = tpu.memref_slice %arg8[%run_scoped3A_88, %dma_wait3A_101] : memref<2x128xi32, #tpu.memory_space<vmem>> -> memref<1x128xi32, #tpu.memory_space<vmem>>
          %dma_wait3A_103 = tpu.memref_squeeze %dma_wait3A_102 : memref<1x128xi32, #tpu.memory_space<vmem>> -> memref<128xi32, #tpu.memory_space<vmem>>
          %dma_wait3A_104 = arith.constant 0 : i32
          %dma_wait3A_105 = arith.constant 0 : i32
          %dma_wait3A_106 = tpu.memref_slice %arg10[%dma_wait3A_104, %dma_wait3A_105] : memref<520x128xf32, #tpu.memory_space<vmem_shared>> -> memref<520x128xf32, #tpu.memory_space<vmem_shared>>
          tpu.wait_indirect_dma semaphore(%run_scoped3A_89 : memref<!tpu.dma_semaphore, #tpu.memory_space<semaphore_mem>>) src(%dma_wait3A_100 : memref<128x128xf32, #tpu.memory_space<vmem>>) dst(%dma_wait3A_106 : memref<520x128xf32, #tpu.memory_space<vmem_shared>>)
          tpu.yield
        }) : () -> ()
      } else {
      }
      %add3A_56 = arith.constant 64 : i32
      %add3A_57 = arith.addi %add3A_50, %add3A_56 : i32
      %lt3A_58 = arith.constant 288 : i32
      %lt3A_59 = arith.cmpi slt, %add3A_57, %lt3A_58 : i32
      %convert_element_type3A_60 = arith.extui %lt3A_59 : i1 to i32
      %cond3A_61 = arith.constant 0 : i32
      %cond3A_62 = arith.cmpi ne, %convert_element_type3A_60, %cond3A_61 : i32
      scf.if %cond3A_62 {
        %mul3A_63 = arith.constant 256 : i32
        %mul3A_64 = arith.muli %add3A_57, %mul3A_63 : i32
        %multiple_of3A = tpu.assume_multiple %mul3A_64, 256 : i32
        %dma_start3A = arith.constant 0 : i32
        %dma_start3A_65 = tpu.memref_slice %arg2[%multiple_of3A, %dma_start3A] : memref<100000x128xf32, #tpu.memory_space<hbm>> -> memref<256x128xf32, #tpu.memory_space<hbm>>
        %dma_start3A_66 = arith.constant 0 : i32
        %dma_start3A_67 = tpu.memref_slice %arg2[%multiple_of3A, %dma_start3A_66] : memref<100000x128xf32, #tpu.memory_space<hbm>> -> memref<256x128xf32, #tpu.memory_space<hbm>>
        tpu.enqueue_dma source(%dma_start3A_67 : memref<256x128xf32, #tpu.memory_space<hbm>>) target(%arg6 : memref<256x128xf32, #tpu.memory_space<vmem>>) target_semaphore(%arg12 : memref<!tpu.dma_semaphore, #tpu.memory_space<semaphore_mem>>)
        %dma_start3A_68 = arith.constant 0 : i32
        %dma_start3A_69 = arith.constant 0 : i32
        %dma_start3A_70 = tpu.memref_slice %arg8[%dma_start3A_68, %dma_start3A_69] : memref<2x128xi32, #tpu.memory_space<vmem>> -> memref<1x128xi32, #tpu.memory_space<vmem>>
        %dma_start3A_71 = tpu.memref_squeeze %dma_start3A_70 : memref<1x128xi32, #tpu.memory_space<vmem>> -> memref<128xi32, #tpu.memory_space<vmem>>
        %dma_start3A_72 = tpu.memref_slice %arg3[%multiple_of3A] : memref<100000xi32, #tpu.memory_space<hbm>> -> memref<128xi32, #tpu.memory_space<hbm>>
        %dma_start3A_73 = arith.constant 0 : i32
        %dma_start3A_74 = tpu.memref_slice %arg8[%dma_start3A_68, %dma_start3A_73] : memref<2x128xi32, #tpu.memory_space<vmem>> -> memref<1x128xi32, #tpu.memory_space<vmem>>
        %dma_start3A_75 = tpu.memref_squeeze %dma_start3A_74 : memref<1x128xi32, #tpu.memory_space<vmem>> -> memref<128xi32, #tpu.memory_space<vmem>>
        %dma_start3A_76 = tpu.memref_slice %arg3[%multiple_of3A] : memref<100000xi32, #tpu.memory_space<hbm>> -> memref<128xi32, #tpu.memory_space<hbm>>
        tpu.enqueue_dma source(%dma_start3A_76 : memref<128xi32, #tpu.memory_space<hbm>>) target(%dma_start3A_75 : memref<128xi32, #tpu.memory_space<vmem>>) target_semaphore(%arg14 : memref<!tpu.dma_semaphore, #tpu.memory_space<semaphore_mem>>)
        %add3A_77 = arith.constant 128 : i32
        %add3A_78 = arith.addi %multiple_of3A, %add3A_77 : i32
        %dma_start3A_79 = arith.constant 1 : i32
        %dma_start3A_80 = arith.constant 0 : i32
        %dma_start3A_81 = tpu.memref_slice %arg8[%dma_start3A_79, %dma_start3A_80] : memref<2x128xi32, #tpu.memory_space<vmem>> -> memref<1x128xi32, #tpu.memory_space<vmem>>
        %dma_start3A_82 = tpu.memref_squeeze %dma_start3A_81 : memref<1x128xi32, #tpu.memory_space<vmem>> -> memref<128xi32, #tpu.memory_space<vmem>>
        %dma_start3A_83 = tpu.memref_slice %arg3[%add3A_78] : memref<100000xi32, #tpu.memory_space<hbm>> -> memref<128xi32, #tpu.memory_space<hbm>>
        %dma_start3A_84 = arith.constant 0 : i32
        %dma_start3A_85 = tpu.memref_slice %arg8[%dma_start3A_79, %dma_start3A_84] : memref<2x128xi32, #tpu.memory_space<vmem>> -> memref<1x128xi32, #tpu.memory_space<vmem>>
        %dma_start3A_86 = tpu.memref_squeeze %dma_start3A_85 : memref<1x128xi32, #tpu.memory_space<vmem>> -> memref<128xi32, #tpu.memory_space<vmem>>
        %dma_start3A_87 = tpu.memref_slice %arg3[%add3A_78] : memref<100000xi32, #tpu.memory_space<hbm>> -> memref<128xi32, #tpu.memory_space<hbm>>
        tpu.enqueue_dma source(%dma_start3A_87 : memref<128xi32, #tpu.memory_space<hbm>>) target(%dma_start3A_86 : memref<128xi32, #tpu.memory_space<vmem>>) target_semaphore(%arg14 : memref<!tpu.dma_semaphore, #tpu.memory_space<semaphore_mem>>)
      } else {
      }
    }
    %scan3A_20 = arith.constant 5 : i32
    %barrier3A_21 = arith.constant 0 : index
    tpu.barrier barrier_id(%barrier3A_21)
    %mul3A_22 = arith.constant 32 : i32
    %mul3A_23 = arith.muli %arg1, %mul3A_22 : i32
    "tpu.region"() ({
      %run_scoped3A = tpu.sem_alloc : memref<!tpu.dma_semaphore, #tpu.memory_space<semaphore_mem>>
      %dma_start3A = arith.constant 0 : i32
      %dma_start3A_26 = tpu.memref_slice %arg10[%mul3A_23, %dma_start3A] : memref<520x128xf32, #tpu.memory_space<vmem_shared>> -> memref<32x128xf32, #tpu.memory_space<vmem_shared>>
      %dma_start3A_27 = arith.constant 0 : i32
      %dma_start3A_28 = tpu.memref_slice %arg10[%mul3A_23, %dma_start3A_27] : memref<520x128xf32, #tpu.memory_space<vmem_shared>> -> memref<32x128xf32, #tpu.memory_space<vmem_shared>>
      tpu.enqueue_dma source(%dma_start3A_28 : memref<32x128xf32, #tpu.memory_space<vmem_shared>>) target(%arg9 : memref<32x128xf32, #tpu.memory_space<vmem>>) target_semaphore(%run_scoped3A : memref<!tpu.dma_semaphore, #tpu.memory_space<semaphore_mem>>)
      %dma_wait3A = arith.constant 0 : i32
      %dma_wait3A_29 = tpu.memref_slice %arg10[%mul3A_23, %dma_wait3A] : memref<520x128xf32, #tpu.memory_space<vmem_shared>> -> memref<32x128xf32, #tpu.memory_space<vmem_shared>>
      %dma_wait3A_30 = arith.constant 0 : i32
      %dma_wait3A_31 = tpu.memref_slice %arg10[%mul3A_23, %dma_wait3A_30] : memref<520x128xf32, #tpu.memory_space<vmem_shared>> -> memref<32x128xf32, #tpu.memory_space<vmem_shared>>
      tpu.wait_dma2 semaphore(%run_scoped3A : memref<!tpu.dma_semaphore, #tpu.memory_space<semaphore_mem>>) src(%dma_wait3A_31 : memref<32x128xf32, #tpu.memory_space<vmem_shared>>) dst(%arg9 : memref<32x128xf32, #tpu.memory_space<vmem>>)
      tpu.yield
    }) : () -> ()
    %mul3A_24 = arith.constant 32 : i32
    %mul3A_25 = arith.muli %arg1, %mul3A_24 : i32
    "tpu.region"() ({
      %run_scoped3A = tpu.sem_alloc : memref<!tpu.dma_semaphore, #tpu.memory_space<semaphore_mem>>
      %dma_start3A = arith.constant 0 : i32
      %dma_start3A_26 = tpu.memref_slice %arg4[%arg0, %mul3A_25, %dma_start3A] : memref<2x512x128xf32, #tpu.memory_space<hbm>> -> memref<1x32x128xf32, #tpu.memory_space<hbm>>
      %dma_start3A_27 = tpu.memref_squeeze %dma_start3A_26 : memref<1x32x128xf32, #tpu.memory_space<hbm>> -> memref<32x128xf32, #tpu.memory_space<hbm>>
      %dma_start3A_28 = arith.constant 0 : i32
      %dma_start3A_29 = tpu.memref_slice %arg4[%arg0, %mul3A_25, %dma_start3A_28] : memref<2x512x128xf32, #tpu.memory_space<hbm>> -> memref<1x32x128xf32, #tpu.memory_space<hbm>>
      %dma_start3A_30 = tpu.memref_squeeze %dma_start3A_29 : memref<1x32x128xf32, #tpu.memory_space<hbm>> -> memref<32x128xf32, #tpu.memory_space<hbm>>
      tpu.enqueue_dma source(%arg9 : memref<32x128xf32, #tpu.memory_space<vmem>>) target(%dma_start3A_30 : memref<32x128xf32, #tpu.memory_space<hbm>>) target_semaphore(%run_scoped3A : memref<!tpu.dma_semaphore, #tpu.memory_space<semaphore_mem>>)
      %dma_wait3A = arith.constant 0 : i32
      %dma_wait3A_31 = tpu.memref_slice %arg4[%arg0, %mul3A_25, %dma_wait3A] : memref<2x512x128xf32, #tpu.memory_space<hbm>> -> memref<1x32x128xf32, #tpu.memory_space<hbm>>
      %dma_wait3A_32 = tpu.memref_squeeze %dma_wait3A_31 : memref<1x32x128xf32, #tpu.memory_space<hbm>> -> memref<32x128xf32, #tpu.memory_space<hbm>>
      %dma_wait3A_33 = arith.constant 0 : i32
      %dma_wait3A_34 = tpu.memref_slice %arg4[%arg0, %mul3A_25, %dma_wait3A_33] : memref<2x512x128xf32, #tpu.memory_space<hbm>> -> memref<1x32x128xf32, #tpu.memory_space<hbm>>
      %dma_wait3A_35 = tpu.memref_squeeze %dma_wait3A_34 : memref<1x32x128xf32, #tpu.memory_space<hbm>> -> memref<32x128xf32, #tpu.memory_space<hbm>>
      tpu.wait_dma2 semaphore(%run_scoped3A : memref<!tpu.dma_semaphore, #tpu.memory_space<semaphore_mem>>) src(%arg9 : memref<32x128xf32, #tpu.memory_space<vmem>>) dst(%dma_wait3A_35 : memref<32x128xf32, #tpu.memory_space<hbm>>)
      tpu.yield
    }) : () -> ()
    return
  }
}

module attributes {stable_mosaic.version = 14 : i64} {
  func.func @_tc_pool(%arg0: i32, %arg1: memref<1024x128xf32, #tpu.memory_space<vmem>>, %arg2: memref<1x1x1024xi32, #tpu.memory_space<vmem>>, %arg3: memref<512x128xf32, #tpu.memory_space<vmem>>) attributes {dimension_semantics = [#tpu.dimension_semantics<arbitrary>], iteration_bounds = array<i64: 26>, scalar_prefetch = 0 : i64, scratch_operands = 0 : i64, tpu.core_type = #tpu.core_type<tc>, window_params = [{transform_indices = @transform_0, window_bounds = array<i64: 1024, 128>}, {transform_indices = @transform_1, window_bounds = array<i64: 1, 1, 1024>}, {pipeline_mode = #tpu.pipeline_mode<synchronous>, transform_indices = @transform_2, window_bounds = array<i64: 512, 128>}]} {
    %eq3A = arith.constant 0 : i32
    %eq3A_0 = arith.cmpi eq, %arg0, %eq3A : i32
    %convert_element_type3A = arith.extui %eq3A_0 : i1 to i32
    %cond3A = arith.constant 0 : i32
    %cond3A_1 = arith.cmpi ne, %convert_element_type3A, %cond3A : i32
    scf.if %cond3A_1 {
      %broadcast_in_dim3A_40 = arith.constant 0.000000e+00 : f32
      %broadcast_in_dim3A_41 = vector.broadcast %broadcast_in_dim3A_40 : f32 to vector<512x128xf32>
      %swap3A_42 = arith.constant 0 : index
      %swap3A_43 = arith.constant 0 : index
      %swap3A_44 = vector.load %arg3[%swap3A_42, %swap3A_43] : memref<512x128xf32, #tpu.memory_space<vmem>>, vector<512x128xf32>
      tpu.vector_store %arg3[%swap3A_42, %swap3A_43], %broadcast_in_dim3A_41 {strides = array<i32>} : memref<512x128xf32, #tpu.memory_space<vmem>>, vector<512x128xf32>,
    } else {
    }
    %add3A = arith.constant 72 : i32
    %add3A_2 = arith.addi %add3A, %arg0 : i32
    %mul3A = arith.constant 1024 : i32
    %mul3A_3 = arith.muli %add3A_2, %mul3A : i32
    %iota3A = tpu.iota {dimensions = array<i32: 1>} : vector<1x1024xi32>
    %add3A_4 = vector.broadcast %mul3A_3 : i32 to vector<1x1024xi32>
    %add3A_5 = arith.addi %add3A_4, %iota3A : vector<1x1024xi32>
    %lt3A = arith.constant 100000 : i32
    %lt3A_6 = vector.broadcast %lt3A : i32 to vector<1x1024xi32>
    %lt3A_7 = arith.cmpi slt, %add3A_5, %lt3A_6 : vector<1x1024xi32>
    %get3A = arith.constant 0 : index
    %get3A_8 = arith.constant 0 : index
    %get3A_9 = arith.constant 0 : index
    %get3A_10 = vector.load %arg2[%get3A, %get3A_8, %get3A_9] : memref<1x1x1024xi32, #tpu.memory_space<vmem>>, vector<1x1x1024xi32>
    %get3A_11 = vector.shape_cast %get3A_10 : vector<1x1x1024xi32> to vector<1x1024xi32>
    %jit3A = arith.constant 512 : i32
    %broadcast_in_dim3A = vector.broadcast %jit3A : i32 to vector<1x1024xi32>
    %select_n3A = arith.select %lt3A_7, %get3A_11, %broadcast_in_dim3A : vector<1x1024xi1>, vector<1x1024xi32>
    %iota3A_12 = tpu.iota {dimensions = array<i32: 0>} : vector<512x1024xi32>
    %eq3A_13 = vector.broadcast %select_n3A : vector<1x1024xi32> to vector<512x1024xi32>
    %eq3A_14 = arith.cmpi eq, %iota3A_12, %eq3A_13 : vector<512x1024xi32>
    %convert_element_type3A_15 = arith.extui %eq3A_14 : vector<512x1024xi1> to vector<512x1024xi32>
    %convert_element_type3A_16 = arith.sitofp %convert_element_type3A_15 : vector<512x1024xi32> to vector<512x1024xf32>
    %convert_element_type3A_17 = arith.truncf %convert_element_type3A_16 : vector<512x1024xf32> to vector<512x1024xbf16>
    %iota3A_18 = tpu.iota {dimensions = array<i32: 0>} : vector<1024x1xi32>
    %add3A_19 = vector.broadcast %mul3A_3 : i32 to vector<1024x1xi32>
    %add3A_20 = arith.addi %add3A_19, %iota3A_18 : vector<1024x1xi32>
    %lt3A_21 = arith.constant 100000 : i32
    %lt3A_22 = vector.broadcast %lt3A_21 : i32 to vector<1024x1xi32>
    %lt3A_23 = arith.cmpi slt, %add3A_20, %lt3A_22 : vector<1024x1xi32>
    %get3A_24 = arith.constant 0 : index
    %get3A_25 = arith.constant 0 : index
    %get3A_26 = vector.load %arg1[%get3A_24, %get3A_25] : memref<1024x128xf32, #tpu.memory_space<vmem>>, vector<1024x128xf32>
    %jit3A_27 = arith.constant 0.000000e+00 : f32
    %broadcast_in_dim3A_28 = vector.shape_cast %lt3A_23 : vector<1024x1xi1> to vector<1024x1xi1>
    %broadcast_in_dim3A_29 = vector.broadcast %broadcast_in_dim3A_28 : vector<1024x1xi1> to vector<1024x128xi1>
    %broadcast_in_dim3A_30 = vector.broadcast %jit3A_27 : f32 to vector<1024x128xf32>
    %select_n3A_31 = arith.select %broadcast_in_dim3A_29, %get3A_26, %broadcast_in_dim3A_30 : vector<1024x128xi1>, vector<1024x128xf32>
    %convert_element_type3A_32 = arith.truncf %select_n3A_31 : vector<1024x128xf32> to vector<1024x128xbf16>
    %get3A_33 = arith.constant 0 : index
    %get3A_34 = arith.constant 0 : index
    %get3A_35 = vector.load %arg3[%get3A_33, %get3A_34] : memref<512x128xf32, #tpu.memory_space<vmem>>, vector<512x128xf32>
    %dot_general3A = arith.constant dense<0.000000e+00> : vector<512x128xf32>
    %dot_general3A_36 = tpu.matmul %convert_element_type3A_17, %convert_element_type3A_32, %dot_general3A {dimension_numbers = #tpu.dot_dimension_numbers<[1], [0], [0], [1], [0, 0, 1, 1], [], []>, transpose_lhs_hint = false} : vector<512x1024xbf16>, vector<1024x128xbf16>, vector<512x128xf32> -> vector<512x128xf32>
    %add3A_37 = arith.addf %get3A_35, %dot_general3A_36 : vector<512x128xf32>
    %swap3A = arith.constant 0 : index
    %swap3A_38 = arith.constant 0 : index
    %swap3A_39 = vector.load %arg3[%swap3A, %swap3A_38] : memref<512x128xf32, #tpu.memory_space<vmem>>, vector<512x128xf32>
    tpu.vector_store %arg3[%swap3A, %swap3A_38], %add3A_37 {strides = array<i32>} : memref<512x128xf32, #tpu.memory_space<vmem>>, vector<512x128xf32>,
    return
  }
  func.func @transform_0(%arg0: i32) -> (i32, i32) {
    %add3A = arith.constant 72 : i32
    %add3A_0 = arith.addi %add3A, %arg0 : i32
    %c0_i32 = arith.constant 0 : i32
    %c0_i32_1 = arith.constant 0 : i32
    return %add3A_0, %c0_i32 : i32, i32
  }
  func.func @transform_1(%arg0: i32) -> (i32, i32, i32) {
    %add3A = arith.constant 72 : i32
    %add3A_0 = arith.addi %add3A, %arg0 : i32
    %c0_i32 = arith.constant 0 : i32
    %c0_i32_1 = arith.constant 0 : i32
    %c0_i32_2 = arith.constant 0 : i32
    return %add3A_0, %c0_i32, %c0_i32_1 : i32, i32, i32
  }
  func.func @transform_2(%arg0: i32) -> (i32, i32) {
    %c0_i32 = arith.constant 0 : i32
    %c0_i32_0 = arith.constant 0 : i32
    %c0_i32_1 = arith.constant 0 : i32
    return %c0_i32, %c0_i32_0 : i32, i32
  }
}

module attributes {stable_mosaic.version = 14 : i64} {
  func.func @_tc_add(%arg0: memref<2x512x128xf32, #tpu.memory_space<vmem>>, %arg1: memref<512x128xf32, #tpu.memory_space<vmem>>, %arg2: memref<512x128xf32, #tpu.memory_space<vmem>>) attributes {dimension_semantics = [], scalar_prefetch = 0 : i64, scratch_operands = 0 : i64, tpu.core_type = #tpu.core_type<tc>} {
    %get3A = arith.constant 0 : index
    %get3A_0 = arith.constant 0 : index
    %get3A_1 = arith.constant 0 : index
    %get3A_2 = vector.load %arg0[%get3A, %get3A_0, %get3A_1] : memref<2x512x128xf32, #tpu.memory_space<vmem>>, vector<1x512x128xf32>
    %get3A_3 = vector.shape_cast %get3A_2 : vector<1x512x128xf32> to vector<512x128xf32>
    %get3A_4 = arith.constant 1 : index
    %get3A_5 = arith.constant 0 : index
    %get3A_6 = arith.constant 0 : index
    %get3A_7 = vector.load %arg0[%get3A_4, %get3A_5, %get3A_6] : memref<2x512x128xf32, #tpu.memory_space<vmem>>, vector<1x512x128xf32>
    %get3A_8 = vector.shape_cast %get3A_7 : vector<1x512x128xf32> to vector<512x128xf32>
    %add3A = arith.addf %get3A_3, %get3A_8 : vector<512x128xf32>
    %get3A_9 = arith.constant 0 : index
    %get3A_10 = arith.constant 0 : index
    %get3A_11 = vector.load %arg1[%get3A_9, %get3A_10] : memref<512x128xf32, #tpu.memory_space<vmem>>, vector<512x128xf32>
    %add3A_12 = arith.addf %add3A, %get3A_11 : vector<512x128xf32>
    %swap3A = arith.constant 0 : index
    %swap3A_13 = arith.constant 0 : index
    %swap3A_14 = vector.load %arg2[%swap3A, %swap3A_13] : memref<512x128xf32, #tpu.memory_space<vmem>>, vector<512x128xf32>
    tpu.vector_store %arg2[%swap3A, %swap3A_13], %add3A_12 {strides = array<i32>} : memref<512x128xf32, #tpu.memory_space<vmem>>, vector<512x128xf32>,
    return
  }
}

</mosaic_0001>

<sc_bundles>
// kernel: _pool.5.cloned.1.call-start
scs
__scs_entry_jumppad:
0x0: {  	(pc) =	sbr.rel $0x88, $3  }
0x1: {  	(tag) =	ssettag $0x0;
	lr =	simm.s32 $0x1  }
0x2: {  	[smem:$0x3F9F] =	sst lr;
	_ =	strace $0xD0000000  }
0x3: {  	_ = 	snop  }
0x4: {  	_ = 	snop  }
0x5: {  	_ = 	snop  }
0x6: {  	_ = 	snop  }
0x7: {  	_ = 	snop  }
__scs_overlays_trampoline_lowered:
0x8: {  	[smem:$0x3FAE] =	sst s0  }
0x9: {  	[smem:$0x3FAF] =	sst s1  }
0xa: {  	[smem:$0x3FB0] =	sst s2  }
0xb: {  	[smem:$0x3FB1] =	sst s3  }
0xc: {  	[smem:$0x3FB2] =	sst s4  }
0xd: {  	[smem:$0x3FB3] =	sst s5  }
0xe: {  	[smem:$0x3FB4] =	sst s6  }
0xf: {  	[smem:$0x3FB5] =	sst s7  }
0x10: {  	[smem:$0x3FB6] =	sst s8  }
0x11: {  	[smem:$0x3FB7] =	sst s9;
	s0 =	simm.s32 @!p0 $0x0  }
0x12: {  	s1 =	sld [smem:$0x3F9D];
	s0 =	simm.s32 @p0 $0x1  }
0x13: {  	[smem:$0x3FB8] =	sst s0;
	s0 =	simm.s32 @!p1 $0x0  }
0x14: {  	s2 =	sld [smem:$0x3F9C];
	s0 =	simm.s32 @p1 $0x1  }
0x15: {  	[smem:$0x3FB9] =	sst s0;
	s0 =	simm.s32 @!p2 $0x0  }
0x16: {  	s3 =	sld [smem:$0x3FDB];
	s0 =	simm.s32 @p2 $0x1  }
0x17: {  	s4 =	simm.s32 $0x1BF5;
	[smem:$0x3FBB] =	sst s0  }
0x18: {  	s0 =	sld [smem:$0x3F9E];
	_ =	swait.ge [sflag:s4], $0x0  }
0x19: {  	s7 =	sld [smem:$0x3F9F]  }
0x1a: {  	s8 =	sadd.s32 $0xFFFFE003, lr  }
0x1b: {  	s9 =	sadd.s32 $0xFFFFFEF7, lr;
	s5 =	simm.s32 $0xFFFFFFFF;
	p2 =	slt.u32 s8, $0xFFFFF086  }
0x1c: {  	p1 =	slt.u32 s9, $0xF7A;
	s5 =	simm.s32 @!p2 $0x0  }
0x1d: {  	s5 =	simm.s32 @p1 $0x1;
	p0 =	seq.s32 s7, s2  }
0x1e: {  	s7 =	smul.u32 @!p0 $0xF7A, s2;
	p2 =	seq.s32 @!p0 s5, $0x0  }
0x1f: {  	s9 =	smul.u32 $0xF7A, s1;
	s8 =	simm.s32 @!p0 $0x1BF5;
	p2 =	por !p2, p0  }
0x20: {  	[sflag:s8] =	ssyncset.s32 @!p0 $0xFFFFF086;
	s6 =	sadd.s32 @!p0 s3, s7;
	s7 =	simm.s32 @!p0 $0x108  }
0x21: {  	s3 =	sadd.s32 s3, s9;
	s6 =	sadd.s32 @!p0 $0x88, s6;
	s7 =	simm.s32 @p2 $0x1082  }
0x22: {  	[simem:s7], [sflag:s8] =	dma.local @!p0 [hbm:s6], $0xF7A  }
0x23: {  	s9 =	sor.u32 $0xD0000000, s2;
	s6 =	simm.s32 $0x108;
	_ =	swait.ge @!p0 [sflag:s8], $0x0  }
0x24: {  	s3 =	sadd.s32 $0x88, s3;
	s6 =	simm.s32 @!p1 $0x1082;
	[sflag:s4] =	ssyncset.s32 $0xFFFFF086  }
0x25: {  	[simem:s6], [sflag:s4] =	dma.local [hbm:s3], $0xF7A  }
0x26: {  	[smem:$0x3F9F] =	sst s1;
	(tag) =	ssettag s2;
	_ =	strace s9  }
0x27: {  	s1 =	sld [smem:$0x3FAF]  }
0x28: {  	s2 =	sld [smem:$0x3FB0]  }
0x29: {  	s4 =	sld [smem:$0x3FB2]  }
0x2a: {  	p0 =	seq.s32 s5, $0x0;
	s5 =	sld [smem:$0x3FB3]  }
0x2b: {  	s6 =	sld [smem:$0x3FB4]  }
0x2c: {  	s7 =	sld [smem:$0x3FB5]  }
0x2d: {  	s3 =	simm.s32 $0x108;
	s8 =	sld [smem:$0x3FB6]  }
0x2e: {  	s3 =	simm.s32 @!p0 $0x1082;
	s9 =	sld [smem:$0x3FB7]  }
0x2f: {  	lr =	sadd.s32 s0, s3;
	s0 =	sld [smem:$0x3FAE]  }
0x30: {  	s3 =	sld [smem:$0x3FB1]  }
0x31: {  	[smem:$0x3FBA] =	sst s10  }
0x32: {  	s10 =	sld [smem:$0x3FB8];
	_ =	sdelay $0x3  }
0x33: {  	p0 =	seq.s32 s10, $0x1;
	s10 =	sld [smem:$0x3FBA];
	_ =	sdelay $0x3  }
0x34: {  	[smem:$0x3FBA] =	sst s10  }
0x35: {  	s10 =	sld [smem:$0x3FB9];
	_ =	sdelay $0x3  }
0x36: {  	p1 =	seq.s32 s10, $0x1;
	s10 =	sld [smem:$0x3FBA];
	_ =	sdelay $0x3  }
0x37: {  	[smem:$0x3FBA] =	sst s10  }
0x38: {  	s10 =	sld [smem:$0x3FBB]  }
0x39: {  	_ = 	snop;
	(pc) =	sbr.ind lr, $3  }
0x3a: {  	_ = 	snop  }
0x3b: {  	_ = 	snop  }
0x3c: {  	p2 =	seq.s32 s10, $0x1;
	s10 =	sld [smem:$0x3FBA]  }
0x3d: {  	_ =	shalt  }
0x3e: {  	_ =	shalt  }
0x3f: {  	_ =	shalt  }
0x40: {  	_ =	shalt  }
0x41: {  	_ =	shalt  }
0x42: {  	_ =	shalt  }
0x43: {  	_ =	shalt  }
0x44: {  	_ =	shalt  }
0x45: {  	_ =	shalt  }
0x46: {  	_ =	shalt  }
0x47: {  	_ =	shalt  }
0x48: {  	_ =	shalt  }
0x49: {  	_ =	shalt  }
0x4a: {  	_ =	shalt  }
0x4b: {  	_ =	shalt  }
0x4c: {  	_ =	shalt  }
0x4d: {  	_ =	shalt  }
0x4e: {  	_ =	shalt  }
0x4f: {  	_ =	shalt  }
0x50: {  	_ =	shalt  }
0x51: {  	_ =	shalt  }
0x52: {  	_ =	shalt  }
0x53: {  	_ =	shalt  }
0x54: {  	_ =	shalt  }
0x55: {  	_ =	shalt  }
0x56: {  	_ =	shalt  }
0x57: {  	_ =	shalt  }
0x58: {  	_ =	shalt  }
0x59: {  	_ =	shalt  }
0x5a: {  	_ =	shalt  }
0x5b: {  	_ =	shalt  }
0x5c: {  	_ =	shalt  }
0x5d: {  	_ =	shalt  }
0x5e: {  	_ =	shalt  }
0x5f: {  	_ =	shalt  }
0x60: {  	_ =	shalt  }
0x61: {  	_ =	shalt  }
0x62: {  	_ =	shalt  }
0x63: {  	_ =	shalt  }
0x64: {  	_ =	shalt  }
0x65: {  	_ =	shalt  }
0x66: {  	_ =	shalt  }
0x67: {  	_ =	shalt  }
0x68: {  	_ =	shalt  }
0x69: {  	_ =	shalt  }
0x6a: {  	_ =	shalt  }
0x6b: {  	_ =	shalt  }
0x6c: {  	_ =	shalt  }
0x6d: {  	_ =	shalt  }
0x6e: {  	_ =	shalt  }
0x6f: {  	_ =	shalt  }
0x70: {  	_ =	shalt  }
0x71: {  	_ =	shalt  }
0x72: {  	_ =	shalt  }
0x73: {  	_ =	shalt  }
0x74: {  	_ =	shalt  }
0x75: {  	_ =	shalt  }
0x76: {  	_ =	shalt  }
0x77: {  	_ =	shalt  }
0x78: {  	_ =	shalt  }
0x79: {  	_ =	shalt  }
0x7a: {  	_ =	shalt  }
0x7b: {  	_ =	shalt  }
0x7c: {  	_ =	shalt  }
0x7d: {  	_ =	shalt  }
0x7e: {  	_ =	shalt  }
0x7f: {  	_ =	shalt  }
0x80: {  	_ =	shalt  }
0x81: {  	_ =	shalt  }
0x82: {  	_ =	shalt  }
0x83: {  	_ =	shalt  }
0x84: {  	_ =	shalt  }
0x85: {  	_ =	shalt  }
0x86: {  	_ =	shalt  }
0x87: {  	_ =	shalt  }
.Lfunc_end0:
.L_simem_size_0:
called_computation_lowered:
.L_overlay_start_0:
0x88: {  	s2 =	sld [smem:$0x3FD9]  }
0x89: {  	s3 =	sld [smem:$0x3FFE];
	_ =	sdelay $0x1  }
0x8a: {  	s1 =	srdreg.scid  }
0x8b: {  	s0 =	sand.u32 $0x1, s1  }
0x8c: {  	s17 =	sshll.u32 s0, $0xA;
	s2 =	sadd.s32 s3, s2  }
0x8d: {  	s2 =	sadd.s32 s2, s17  }
0x8e: {  	[smem:$0x3FC6] =	sst s2  }
0x8f: {  	_ = 	snop  }
0x90: {  	s2 =	sld [smem:$0x3FC9]  }
0x91: {  	s18 =	sld [smem:$0x3FC8];
	(tm) =	ssettm $0x1  }
0x92: {  	s4 =	sld [smem:$0x3FFB];
	_ =	sdelay $0x3  }
0x93: {  	_ =	strace s4  }
0x94: {  	s4 =	sld [smem:$0x3FFC];
	_ =	sdelay $0x3  }
0x95: {  	_ =	strace s4  }
0x96: {  	s4 =	sld [smem:$0x3FFD];
	_ =	sdelay $0x3  }
0x97: {  	_ =	strace s4  }
0x98: {  	_ =	strace $0x8FFFFFFF  }
0x99: {  	s19 =	sld [smem:$0x3FDB];
	_ =	sdelay $0x1  }
0x9a: {  	s5 =	simm.s32 $_scs_section_size  }
0x9b: {  	s6 =	simm.s32 $_size__tile_overlayer_lowered;
	s7 =	simm.s32 $_tile_overlayer_lowered  }
0x9c: {  	s22 =	simm.s32 $0x1BFF;
	s21 =	sshll.u32 s7, $0x1;
	s4 =	sadd.s32 s5, s19  }
0x9d: {  	s8 =	simm.s32 $0x0;
	s20 =	sshll.u32 s6, $0x1;
	s6 =	sadd.s32 s21, s4  }
0x9e: {  	[timem:s8], [sflag:s22] =	dma.local [hbm:s6], s20  }
0x9f: {  	_ =	swait.ge [sflag:s22], s20  }
0xa0: {  	s5 =	ssub.s32 $0x0, s20;
	[sflag:s22] =	ssyncset.done $0x0  }
0xa1: {  	[sflag:s22] =	ssyncadd.s32 s5;
	_ =	sdelay $0x1  }
0xa2: {  	s23 =	simm.s32 $0x1B8B  }
0xa3: {  	_ =	swait.ge [sflag:s23], $0x1  }
0xa4: {  	[sflag:s23] =	ssyncset.done $0x0  }
0xa5: {  	s25 =	simm.s32 $0x1B8E;
	s24 =	sld [smem:$0x3FFE];
	[sflag:s23] =	ssyncadd.s32 $0xFFFFFFFF  }
0xa6: {  	s26 =	simm.s32 $execute0_lowered;
	[smem:$0x3FD2] =	sst s25  }
0xa7: {  	s6 =	sshll.u32 s26, $0x1;
	_ =	strace $0x80000046;
	[dreg:$0x1] =	wrdreg $0xFFFFFFFF  }
0xa8: {  	s28 =	simm.s32 $_size_execute0_lowered;
	s4 =	sadd.s32 s4, s6;
	[dreg:$0x0] =	wrdreg $0x0  }
0xa9: {  	s6 =	sshll.u32 s28, $0x1;
	[dreg:$0x2] =	wrdreg s4  }
0xaa: {  	[dreg:$0x3] =	wrdreg s6  }
0xab: {  	[dreg:$0x4] =	wrdreg $0xC0  }
0xac: {  	_ =	task [dreg:s8], $0x5FFFF  }
0xad: {  	[dreg:$0x1] =	wrdreg $0xFFFFFFFF  }
0xae: {  	[dreg:$0x0] =	wrdreg $0x60  }
0xaf: {  	[dreg:$0x2] =	wrdreg s2  }
0xb0: {  	[dreg:$0x3] =	wrdreg s18  }
0xb1: {  	[dreg:$0x4] =	wrdreg s24  }
0xb2: {  	[dreg:$0x5] =	wrdreg $0x112000  }
0xb3: {  	[dreg:$0x6] =	wrdreg $0x9  }
0xb4: {  	_ =	task.clear_ibuf [dreg:s8], $0x7FFFF;
	_ =	strace $0x90000046  }
0xb5: {  	s29 =	simm.s32 $0x9;
	_ =	strace $0x80000048  }
0xb6: {  	_ =	swait.ge [sflag:s29], $0x1  }
0xb7: {  	[sflag:s29] =	ssyncadd.s32 $0xFFFFFFFF  }
0xb8: {  	_ =	strace $0x90000048  }
0xb9: {  	_ =	sfence  }
0xba: {  	s30 =	sld [smem:$0x0];
	_ =	sdelay $0x2  }
0xbb: {  	s31 =	sshll.u32 s1, $0xD;
	s1 =	sshrl.u32 s1, $0x2  }
0xbc: {  	s3 =	sand.u32 $0x4000, s31;
	s1 =	sadd.s32 s1, s30  }
0xbd: {  	s0 =	sor.u32 s3, s0;
	s1 =	sshll.u32 s1, $0x11  }
0xbe: {  	s0 =	sor.u32 s1, s0  }
0xbf: {  	s0 =	sadd.s32 $0x8F2B, s0  }
0xc0: {  	[sflag:s0] =	ssyncadd.remote.s32 $0x1  }
0xc1: {  	_ =	sfence.sel $0xFFFF  }
0xc2: {  	[dreg:$0x0] =	wrdreg $0xFFFFFFFF;
	(pc) =	sbr.abs _section_cstart, $3  }
0xc3: {  	[dreg:$0x1] =	wrdreg $0xFFFFFFFF  }
0xc4: {  	_ =	task.clear_ibuf [dreg:s8], $0x2FFFF;
	_ =	strace $0x9FFFFFFF  }
0xc5: {  	(tm) =	ssettm $0x7FFFFFFF  }
tec
execute0_lowered:
.L_overlay_start_1:
0x0: {  	(tag) =	ssettag $0x1  }
0x1: {  	s0 =	rddreg [dreg:$0x0]  }
0x2: {  	s13 =	rddreg [dreg:$0x1]  }
0x3: {  	s4 =	rddreg [dreg:$0x2]  }
0x4: {  	s2 =	rddreg [dreg:$0x3];
	s3 =	simm.s32 $0x0;
	s1 =	stileid.u32  }
0x5: {  	s5 =	srdreg.scid;
	s17 =	simm.s32 $0x5;
	s18 =	simm.s32 $0x10000  }
0x6: {  	s19 =	simm.s32 $0x10080;
	s28 =	simm.s32 $0x0;
	[smem:$0x7FF] =	sst s3  }
0x7: {  	s6 =	sshll.u32 s1, $0x9;
	s14 =	sand.u32 $0x1, s5;
	s23 =	sshll.u32 s1, $0x1  }
0x8: {  	s25 =	sshll.u32 s1, $0xC;
	s11 =	sadd.s32 $0x10, s13;
	s30 =	sshll.u32 s1, $0x6  }
0x9: {  	_ =	strace $0x80000047;
	s10 =	sadd.s32 s6, s4;
	s22 =	ssub.s32 $0x2, s14  }
0xa: {  	s8 =	sor.u32 s14, s23;
	s4 =	sadd.s32 s25, s2;
	s16 =	sshll.u32 s14, $0xD  }
0xb: {  	s31 =	sshll.u32 s14, $0x5;
	s23 =	simm.s32 $0x1;
	s25 =	simm.s32 $0x80  }
0xc: {  	s24 =	sshrl.u32 s22, $0x1;
	s26 =	sshll.u32 s8, $0xC;
	s7 =	sshll.u32 s8, $0x5  }
0xd: {  	s8 =	sor.u32 $0x20, s8;
	s29 =	sadd.s32 s16, s10;
	s16 =	simm.s32 $0x10200  }
0xe: {  	s12 =	ssub.s32 s22, s24;
	s5 =	sadd.s32 s0, s26;
	s6 =	sadd.s32 s13, s7  }
.Ltmp0:
0xf: {  	s7 =	sadd.s32 s7, s11;
	s9 =	sshll.u32 s8, $0xC;
	(pc) =	sbr.rel .LBB2_1-.Ltmp0, $4  }
0x10: {  	s15 =	sshll.u32 s8, $0x5;
	s24 =	simm.s32 $0x3;
	s26 =	simm.s32 $0x4000  }
0x11: {  	s8 =	sadd.s32 s0, s9;
	s9 =	sadd.s32 s13, s15;
	s10 =	sadd.s32 s15, s11  }
0x12: {  	s11 =	sadd.s32 $0x800, s29;
	s12 =	smax.u32 s12, $0x1;
	s0 =	sadd.s32 s30, s13  }
0x13: {  	v0 =	vimm.f32 $0.0e+00;
	s15 =	sadd.s32 $0x60000, s5;
	s13 =	sadd.s32 s31, s0;
	s0 =	sadd.s32 $0x40000, s5  }
.LBB2_6:
0x14: {  	[bflag:$0x0] =	sbarrier.arrive $0xFFFF  }
0x15: {  	[tilespmem:s16], [sflag:$0x5] =	stream.linear.gather [spmem:s4], $0x1000, $0x38;
	[tilespmem:$0x12240] =	vst v63  }
0x16: {  	s28 =	sadd.s32 $0x1, s28;
	_ =	swait.ge [sflag:s17], $0x1000  }
0x17: {  	p0 =	sne.s32 s28, s12;
	[sflag:s17] =	ssyncset.done $0x0  }
.Ltmp1:
0x18: {  	[sflag:s17] =	ssyncadd.s32 $0xFFFFF000;
	(pc) =	sbr.rel @!p0 .LBB2_7-.Ltmp1, $4  }
0x19: {  	[hbm4b:s11+s3] =	stream.linear.scatter [tilespmem:s16], [sflag:$0x5], $0x1000, $0x38;
	[tilespmem:$0x12240] =	vst v63  }
0x1a: {  	_ =	swait.ge [sflag:s17], $0x1000  }
0x1b: {  	[sflag:s17] =	ssyncset.done $0x0  }
0x1c: {  	[sflag:s17] =	ssyncadd.s32 $0xFFFFF000  }
.LBB2_1:
0x1d: {  	s14 =	simm.s32 $0x0;
	s29 =	simm.s32 $0x200  }
.LBB2_2:
0x1e: {  	p0 =	sne.s32 s29, $0x3E00;
	[tilespmem:s14+$0x10270] =	vst v0  }
0x1f: {  	[tilespmem:s14+$0x10200] =	vst v0  }
0x20: {  	[tilespmem:s14+$0x10210] =	vst v0  }
.Ltmp2:
0x21: {  	[tilespmem:s14+$0x10220] =	vst v0;
	(pc) =	sbr.rel @p0 .LBB2_2-.Ltmp2, $4  }
0x22: {  	[tilespmem:s14+$0x10230] =	vst v0  }
0x23: {  	[tilespmem:s14+$0x10240] =	vst v0  }
0x24: {  	[tilespmem:s14+$0x10250] =	vst v0  }
0x25: {  	[tilespmem:s14+$0x10260] =	vst v0;
	s14 =	sshra.s32 s29, $0x2;
	s29 =	sadd.s32 $0x200, s29  }
0x26: {  	[tilespmem:s14+$0x10270] =	vst v0  }
0x27: {  	[tilespmem:s14+$0x10200] =	vst v0  }
0x28: {  	[tilespmem:s14+$0x10210] =	vst v0  }
0x29: {  	[tilespmem:s14+$0x10220] =	vst v0  }
0x2a: {  	[tilespmem:s14+$0x10230] =	vst v0  }
0x2b: {  	[tilespmem:s14+$0x10240] =	vst v0  }
0x2c: {  	[tilespmem:s14+$0x10250] =	vst v0  }
0x2d: {  	[tilespmem:s14+$0x10260] =	vst v0  }
0x2e: {  	[spmem:s4] =	stream.linear.scatter [tilespmem:s16], [sflag:$0x5], $0x1000, $0x38;
	[tilespmem:$0x12240] =	vst v63  }
0x2f: {  	_ =	swait.ge [sflag:s17], $0x1000  }
0x30: {  	[sflag:s17] =	ssyncset.done $0x0  }
0x31: {  	[sflag:s17] =	ssyncadd.s32 $0xFFFFF000  }
0x32: {  	s29 =	simm.s32 $0x0;
	[bflag:$0x0] =	sbarrier.arrive $0xFFFF  }
0x33: {  	[tilespmem:s29], [sflag:$0x1] =	stream.linear.gather [hbm4b:s5+s29], $0x8000, $0x38;
	[tilespmem:$0x12240] =	vst v63  }
0x34: {  	_ = 	snop  }
0x35: {  	[tilespmem:s18], [sflag:$0x3] =	stream.linear.gather [hbm4b:s6+s29], $0x80, $0x38;
	[tilespmem:$0x12240] =	vst v63  }
0x36: {  	_ = 	snop  }
0x37: {  	[tilespmem:s19], [sflag:$0x3] =	stream.linear.gather [hbm4b:s7+s29], $0x80, $0x38;
	[tilespmem:$0x12240] =	vst v63  }
0x38: {  	s1 =	simm.s32 $0x8000  }
0x39: {  	[tilespmem:s1], [sflag:$0x2] =	stream.linear.gather [hbm4b:s8+s29], $0x8000, $0x38;
	[tilespmem:$0x12240] =	vst v63  }
0x3a: {  	s21 =	simm.s32 $0x10100;
	s22 =	simm.s32 $0x10180  }
0x3b: {  	[tilespmem:s21], [sflag:$0x4] =	stream.linear.gather [hbm4b:s9+s29], $0x80, $0x38;
	[tilespmem:$0x12240] =	vst v63  }
0x3c: {  	s30 =	simm.s32 $0x20;
	s31 =	smov.u32 s15;
	s14 =	smov.u32 s0  }
0x3d: {  	[tilespmem:s22], [sflag:$0x4] =	stream.linear.gather [hbm4b:s10+s29], $0x80, $0x38;
	[tilespmem:$0x12240] =	vst v63  }
.LBB2_4:
0x3e: {  	_ =	swait.ge [sflag:s23], $0x8000  }
0x3f: {  	[sflag:s23] =	ssyncset.done $0x0  }
0x40: {  	[sflag:s23] =	ssyncadd.s32 $0xFFFF8000  }
0x41: {  	_ =	swait.ge [sflag:s24], $0x80  }
0x42: {  	[sflag:s24] =	ssyncset.done $0x0  }
0x43: {  	[sflag:s24] =	ssyncadd.s32 $0xFFFFFF80  }
0x44: {  	_ =	swait.ge [sflag:s24], $0x80  }
0x45: {  	[sflag:s24] =	ssyncset.done $0x0  }
0x46: {  	[sflag:s24] =	ssyncadd.s32 $0xFFFFFF80  }
0x47: {  	[spmem:s2] =	stream.indirect.scatter.add.f32 [tilespmem:s3], [sflag:$0x5], $0x80, s18, s25, $0xb8;
	[tilespmem:$0x12240] =	vst v63  }
0x48: {  	_ =	swait.ge [sflag:s17], $0x4000  }
0x49: {  	p0 =	seq.s32 s29, $0x2000;
	[sflag:s17] =	ssyncset.done $0x0  }
.Ltmp3:
0x4a: {  	[sflag:s17] =	ssyncadd.s32 $0xFFFFC000;
	(pc) =	sbr.rel @p0 .LBB2_6-.Ltmp3, $4  }
0x4b: {  	[spmem:s2] =	stream.indirect.scatter.add.f32 [tilespmem:s26], [sflag:$0x5], $0x80, s19, s25, $0xb8;
	[tilespmem:$0x12240] =	vst v63  }
0x4c: {  	_ =	swait.ge [sflag:s17], $0x4000  }
0x4d: {  	[sflag:s17] =	ssyncset.done $0x0  }
0x4e: {  	[sflag:s17] =	ssyncadd.s32 $0xFFFFC000  }
0x4f: {  	[tilespmem:s3], [sflag:$0x1] =	stream.linear.gather [hbm4b:s14+s3], $0x8000, $0x38;
	[tilespmem:$0x12240] =	vst v63  }
0x50: {  	s1 =	sadd.s32 s29, s13  }
0x51: {  	s20 =	sadd.s32 $0x800, s1  }
0x52: {  	[tilespmem:s18], [sflag:$0x3] =	stream.linear.gather [hbm4b:s20+s3], $0x80, $0x38;
	[tilespmem:$0x12240] =	vst v63  }
0x53: {  	p0 =	sgt.u32 s30, $0x11F;
	s1 =	sadd.s32 $0x810, s1  }
0x54: {  	[tilespmem:s19], [sflag:$0x3] =	stream.linear.gather [hbm4b:s1+s3], $0x80, $0x38;
	[tilespmem:$0x12240] =	vst v63  }
0x55: {  	s1 =	simm.s32 @!p0 $0x2  }
0x56: {  	_ =	swait.ge @!p0 [sflag:s1], $0x8000  }
0x57: {  	[sflag:s1] =	ssyncset.done @!p0 $0x0  }
0x58: {  	[sflag:s1] =	ssyncadd.s32 @!p0 $0xFFFF8000;
	s1 =	simm.s32 @!p0 $0x4  }
0x59: {  	_ =	swait.ge @!p0 [sflag:s1], $0x80  }
0x5a: {  	[sflag:s1] =	ssyncset.done @!p0 $0x0  }
0x5b: {  	[sflag:s1] =	ssyncadd.s32 @!p0 $0xFFFFFF80  }
0x5c: {  	_ =	swait.ge @!p0 [sflag:s1], $0x80  }
0x5d: {  	s21 =	simm.s32 @!p0 $0x8000;
	[sflag:s1] =	ssyncset.done @!p0 $0x0  }
0x5e: {  	s20 =	simm.s32 @!p0 $0x10100;
	[sflag:s1] =	ssyncadd.s32 @!p0 $0xFFFFFF80;
	s1 =	simm.s32 @!p0 $0x80  }
0x5f: {  	[spmem:s2] =	stream.indirect.scatter.add.f32 @!p0 [tilespmem:s21], [sflag:$0x5], $0x80, s20, s1, $0xb8;
	[tilespmem:$0x12240] =	vst v63  }
0x60: {  	s20 =	simm.s32 @!p0 $0x5  }
0x61: {  	_ =	swait.ge @!p0 [sflag:s20], $0x4000  }
0x62: {  	[sflag:s20] =	ssyncset.done @!p0 $0x0  }
0x63: {  	s22 =	simm.s32 @!p0 $0xC000;
	s21 =	simm.s32 @!p0 $0x10180;
	[sflag:s20] =	ssyncadd.s32 @!p0 $0xFFFFC000  }
0x64: {  	[spmem:s2] =	stream.indirect.scatter.add.f32 @!p0 [tilespmem:s22], [sflag:$0x5], $0x80, s21, s1, $0xb8;
	[tilespmem:$0x12240] =	vst v63  }
0x65: {  	p1 =	sgt.u32 @!p0 s30, $0xDF;
	_ =	swait.ge @!p0 [sflag:s20], $0x4000  }
0x66: {  	s14 =	sadd.s32 $0x40000, s14;
	p1 =	por p1, p0;
	[sflag:s20] =	ssyncset.done @!p0 $0x0  }
0x67: {  	s1 =	simm.s32 @!p1 $0x0;
	[sflag:s20] =	ssyncadd.s32 @!p0 $0xFFFFC000;
	s20 =	simm.s32 @!p1 $0x8000  }
0x68: {  	[tilespmem:s20], [sflag:$0x2] =	stream.linear.gather @!p1 [hbm4b:s31+s1], $0x8000, $0x38;
	[tilespmem:$0x12240] =	vst v63  }
.Ltmp4:
0x69: {  	s30 =	sadd.s32 $0x40, s30;
	s20 =	sadd.s32 @!p1 s29, s13;
	(pc) =	sbr.rel .LBB2_4-.Ltmp4, $4  }
0x6a: {  	s22 =	simm.s32 @!p1 $0x10100;
	s29 =	sadd.s32 $0x800, s29;
	s21 =	sadd.s32 @!p1 $0xC00, s20  }
0x6b: {  	[tilespmem:s22], [sflag:$0x4] =	stream.linear.gather @!p1 [hbm4b:s21+s1], $0x80, $0x38;
	[tilespmem:$0x12240] =	vst v63  }
0x6c: {  	s31 =	sadd.s32 $0x40000, s31;
	s20 =	sadd.s32 @!p1 $0xC10, s20;
	s21 =	simm.s32 @!p1 $0x10180  }
0x6d: {  	[tilespmem:s21], [sflag:$0x4] =	stream.linear.gather @!p1 [hbm4b:s20+s1], $0x80, $0x38;
	[tilespmem:$0x12240] =	vst v63  }
.LBB2_7:
0x6e: {  	_ =	sfence.sel $0x180000  }
0x6f: {  	[bflag:$0x0] =	sbarrier.arrive $0xFFFF  }
0x70: {  	_ =	strace $0x90000047  }
0x71: {  	s0 =	stileid.u32;
	[bflag:$0x2] =	sbarrier.arrive $0xFFFF  }
0x72: {  	p0 =	sne.s32 s0, $0x0;
	s0 =	rddreg [dreg:$0x4]  }
0x73: {  	s0 =	sadd.s32 @!p0 $0x100000, s0  }
0x74: {  	[sflag:s0] =	ssyncadd.tile.s32 @!p0 $0x1;
	_ =	shalt  }
.Lfunc_end2:
_tile_overlayer_lowered:
.L_overlay_start_2:
0x75: {  	(tag) =	ssettag $0x2  }
0x76: {  	s0 =	rddreg [dreg:$0x0];
	s2 =	stileid.u32  }
0x77: {  	s1 =	rddreg [dreg:$0x1];
	p0 =	sne.s32 s2, $0x0  }
0x78: {  	s3 =	rddreg [dreg:$0x2];
	[bflag:$0x3] =	sbarrier.arrive $0xFFFF;
	s2 =	simm.s32 @!p0 $0x1C05  }
0x79: {  	[timem:s3], [sflag:s2] =	dma.local @!p0 [hbm:s0], s1  }
0x7a: {  	s0 =	simm.s32 @!p0 $0x5  }
0x7b: {  	_ =	swait.ge @!p0 [sflag:s0], s1  }
0x7c: {  	s1 =	ssub.s32 @!p0 $0x0, s1;
	[sflag:s0] =	ssyncset.done @!p0 $0x0  }
0x7d: {  	[sflag:s0] =	ssyncadd.s32 @!p0 s1  }
0x7e: {  	[bflag:$0x3] =	sbarrier.arrive $0xFFFF  }
0x7f: {  	_ =	shalt  }

</sc_bundles>
